<compile_context>
chip_gen: v7x
topology: tpu7x:2x2x1
jax: 0.10.2.dev20260603
libtpu: 0.0.44.dev20260713+nightly
codegen_flags: <defaults>
</compile_context>

<pallas_src>
import functools

import jax
import jax.numpy as jnp
from jax import lax
from jax.experimental import pallas as pl
from jax.experimental.pallas import tpu as pltpu
from jax.experimental.pallas import tpu_sc as plsc

N = 10000
E = 320000
D = 128

NC = 2
NS = 16
NW = NC * NS
EPW = E // NW
CH = 128
NCHF = EPW // CH
TAIL = EPW - NCHF * CH
NPAIR = NCHF // 2
RPT = 632
NP = NS * RPT

_mesh = plsc.VectorSubcoreMesh(core_axis_name="c", subcore_axis_name="s")


NCC = NP // 128
CCT = -(-NCC // NS)


def _aggregate_body(with_count, x_hbm, src_hbm, dst_hbm, zeros_hbm,
                    out_hbm, cnt_hbm, srcv, idx_d0, idx_d1,
                    idx_t, rows0, rows1, rows_t, ones, cbuf, acc, cnt_acc,
                    g0, g1, d0, d1, c0, c1, gt):
    cid = lax.axis_index("c")
    sid = lax.axis_index("s")
    wid = sid * NC + cid
    ebase = wid * EPW

    pltpu.async_copy(zeros_hbm, acc.at[pl.ds(sid * RPT, RPT)], c1)
    pltpu.sync_copy(src_hbm.at[pl.ds(ebase, EPW)], srcv)
    if with_count:
        for j in range(CH // 16):
            ones[pl.ds(j * 16, 16)] = jnp.ones((16,), jnp.float32)
        for j in range(128 // 16):
            cbuf[pl.ds(j * 16, 16)] = jnp.zeros((16,), jnp.float32)

        def zbody(i, carry):
            j = sid * CCT + i

            @pl.when(j < NCC)
            def _():
                pltpu.sync_copy(cbuf, cnt_acc.at[pl.ds(j * 128, 128)])
            return carry

        lax.fori_loop(0, CCT, zbody, 0)

    def fetch_d(j, buf, sem):
        pltpu.async_copy(dst_hbm.at[pl.ds(ebase + j * CH, CH)], buf, sem)

    def wait_d(j, buf, sem):
        pltpu.make_async_copy(dst_hbm.at[pl.ds(ebase + j * CH, CH)],
                              buf, sem).wait()

    def issue_g(j, buf, sem):
        pltpu.async_copy(x_hbm.at[srcv.at[pl.ds(j * CH, CH)]], buf, sem)

    def wait_g(j, buf, sem):
        pltpu.make_async_copy(x_hbm.at[srcv.at[pl.ds(j * CH, CH)]],
                              buf, sem).wait()

    def scat_sync(idx_buf, buf):
        pltpu.sync_copy(buf, acc.at[idx_buf], add=True)

    def scat_cnt(idx_buf, sem):
        if with_count:
            pltpu.async_copy(ones, cnt_acc.at[idx_buf], sem, add=True)

    def wait_scat_cnt(idx_buf, sem):
        if with_count:
            pltpu.make_async_copy(ones, cnt_acc.at[idx_buf], sem).wait()

    fetch_d(0, idx_d0, d0)
    issue_g(0, rows0, g0)
    tbase = ebase + NCHF * CH
    pltpu.async_copy(dst_hbm.at[pl.ds(tbase, TAIL)], idx_t, gt)
    pltpu.async_copy(x_hbm.at[srcv.at[pl.ds(NCHF * CH, TAIL)]], rows_t, gt)
    pltpu.make_async_copy(zeros_hbm, acc.at[pl.ds(sid * RPT, RPT)],
                          c1).wait()
    plsc.subcore_barrier()

    def body(k, carry):
        j0 = 2 * k
        j1 = j0 + 1
        fetch_d(j1, idx_d1, d1)
        issue_g(j1, rows1, g1)
        wait_g(j0, rows0, g0)
        wait_d(j0, idx_d0, d0)
        scat_cnt(idx_d0, c0)
        scat_sync(idx_d0, rows0)
        wait_scat_cnt(idx_d0, c0)

        @pl.when(k < NPAIR - 1)
        def _():
            fetch_d(j0 + 2, idx_d0, d0)
            issue_g(j0 + 2, rows0, g0)

        wait_g(j1, rows1, g1)
        wait_d(j1, idx_d1, d1)
        scat_cnt(idx_d1, c1)
        scat_sync(idx_d1, rows1)
        wait_scat_cnt(idx_d1, c1)
        return carry

    lax.fori_loop(0, NPAIR, body, 0)

    pltpu.make_async_copy(dst_hbm.at[pl.ds(tbase, TAIL)], idx_t, gt).wait()
    pltpu.make_async_copy(x_hbm.at[srcv.at[pl.ds(NCHF * CH, TAIL)]],
                          rows_t, gt).wait()
    if with_count:
        pltpu.async_copy(ones.at[pl.ds(0, TAIL)], cnt_acc.at[idx_t], c0,
                         add=True)
    pltpu.sync_copy(rows_t, acc.at[idx_t], add=True)
    if with_count:
        pltpu.make_async_copy(ones.at[pl.ds(0, TAIL)], cnt_acc.at[idx_t],
                              c0).wait()
    plsc.subcore_barrier()

    pltpu.sync_copy(acc.at[pl.ds(sid * RPT, RPT)],
                    out_hbm.at[pl.ds(cid * NP + sid * RPT, RPT)])
    if with_count:
        def obody(i, carry):
            j = sid * CCT + i

            @pl.when(j < NCC)
            def _():
                pltpu.sync_copy(cnt_acc.at[pl.ds(j * 128, 128)], cbuf)
                pltpu.sync_copy(cbuf,
                                cnt_hbm.at[pl.ds(cid * NP + j * 128, 128)])
            return carry

        lax.fori_loop(0, CCT, obody, 0)


_AGG_SCRATCH = [
    pltpu.VMEM((EPW,), jnp.int32),
    pltpu.VMEM((CH,), jnp.int32),
    pltpu.VMEM((CH,), jnp.int32),
    pltpu.VMEM((TAIL,), jnp.int32),
    pltpu.VMEM((CH, D), jnp.float32),
    pltpu.VMEM((CH, D), jnp.float32),
    pltpu.VMEM((TAIL, D), jnp.float32),
    pltpu.VMEM((CH,), jnp.float32),
    pltpu.VMEM((128,), jnp.float32),
    pltpu.VMEM_SHARED((NP, D), jnp.float32),
    pltpu.VMEM_SHARED((NP,), jnp.float32),
    pltpu.SemaphoreType.DMA,
    pltpu.SemaphoreType.DMA,
    pltpu.SemaphoreType.DMA,
    pltpu.SemaphoreType.DMA,
    pltpu.SemaphoreType.DMA,
    pltpu.SemaphoreType.DMA,
    pltpu.SemaphoreType.DMA,
]

_sc_aggregate_count = functools.partial(
    pl.kernel,
    out_type=(jax.ShapeDtypeStruct((2 * NP, D), jnp.float32),
              jax.ShapeDtypeStruct((2 * NP,), jnp.float32)),
    mesh=_mesh,
    scratch_types=_AGG_SCRATCH,
)(lambda x, s, d, z, o, c, *r: _aggregate_body(True, x, s, d, z, o, c, *r))


def _agg_only_body(x, s, d, z, o, *r):
    return _aggregate_body(False, x, s, d, z, o, None, *r)


_sc_aggregate = functools.partial(
    pl.kernel,
    out_type=jax.ShapeDtypeStruct((2 * NP, D), jnp.float32),
    mesh=_mesh,
    scratch_types=_AGG_SCRATCH,
)(_agg_only_body)


BN = 2000


def _combine_body(act, p_ref, cnt_ref, h_ref, wl_ref, bl_ref, wr_ref, o_ref):
    s = p_ref[0] + p_ref[1]
    c = cnt_ref[0] + cnt_ref[1]
    mean = s / jnp.maximum(c, 1.0)
    a = lax.dot_general(mean, wl_ref[...], (((1,), (1,)), ((), ())),
                        preferred_element_type=jnp.float32)
    b = lax.dot_general(h_ref[...], wr_ref[...], (((1,), (1,)), ((), ())),
                        preferred_element_type=jnp.float32)
    o = a + b + bl_ref[...]
    if act == "relu":
        o = jnp.maximum(o, 0.0)
    else:
        o = jnp.tanh(o)
    o_ref[...] = o


def _make_combine(act):
    return pl.pallas_call(
        functools.partial(_combine_body, act),
        grid=(N // BN,),
        in_specs=[
            pl.BlockSpec((2, BN, D), lambda i: (0, i, 0)),
            pl.BlockSpec((2, BN, 1), lambda i: (0, i, 0)),
            pl.BlockSpec((BN, D), lambda i: (i, 0)),
            pl.BlockSpec((D, D), lambda i: (0, 0)),
            pl.BlockSpec((1, D), lambda i: (0, 0)),
            pl.BlockSpec((D, D), lambda i: (0, 0)),
        ],
        out_specs=pl.BlockSpec((BN, D), lambda i: (i, 0)),
        out_shape=jax.ShapeDtypeStruct((N, D), jnp.float32),
    )


_combine_relu = _make_combine("relu")
_combine_tanh = _make_combine("tanh")


def kernel(x, edge_index, g, Wl0, bl0, Wr0, Wl1, bl1, Wr1, Wl2, bl2, Wr2):
    src = edge_index[0]
    dst = edge_index[1]
    zeros_rows = jnp.zeros((RPT, D), jnp.float32)

    p0, cnt2 = _sc_aggregate_count(x, src, dst, zeros_rows)
    cnt = cnt2.reshape(2, NP, 1)

    h = x
    layers = [(Wl0, bl0, Wr0, _combine_relu, None),
              (Wl1, bl1, Wr1, _combine_relu, None),
              (Wl2, bl2, Wr2, _combine_tanh, None)]
    for i, (Wl, bl, Wr, combine, _) in enumerate(layers):
        if i == 0:
            p = p0.reshape(2, NP, D)
        else:
            p = _sc_aggregate(h, src, dst, zeros_rows).reshape(2, NP, D)
        h = combine(p, cnt, h, Wl, bl.reshape(1, D), Wr)
    return h

# --- scband reference (transcript-rebuilt; emitter-appended) ---
"""Pipeline reference for scband-psage-59657095741761 (READ-ONLY COPY).

The authoritative reference and input builder live on the scoring server;
editing this copy changes nothing except your own understanding.
"""

import jax, jax.numpy as jnp
import numpy as np

N = 10000
E = 320000
D = 128

def _sage(x, src, dst, Wl, bl, Wr):
    # PyG SAGEConv (normalize=False): out = lin_l(mean_aggr(x_src -> dst)) + lin_r(x)
    msgs = x[src]
    summed = jax.ops.segment_sum(msgs, dst, num_segments=N)
    cnt = jax.ops.segment_sum(jnp.ones((E,), jnp.float32), dst, num_segments=N)
    mean = summed / jnp.clip(cnt, 1.0)[:, None]
    return mean @ Wl.T + bl + x @ Wr.T

def setup_inputs(seed: int = 0) -> dict:
    key = jax.random.key(seed)
    ks = jax.random.split(key, 16)
    s = 0.05
    inp = {
        "x": jax.random.normal(ks[0], (N, D), jnp.float32),
        "edge_index": jax.random.randint(ks[1], (2, E), 0, N, dtype=jnp.int32),
        "g": 0,
    }
    dims = [(D, 128), (128, 128), (128, 128)]
    for i, (din, dout) in enumerate(dims):
        inp[f"Wl{i}"] = jax.random.normal(ks[2 + 3 * i], (dout, din), jnp.float32) * s
        inp[f"bl{i}"] = jnp.zeros((dout,), jnp.float32)
        inp[f"Wr{i}"] = jax.random.normal(ks[3 + 3 * i], (dout, din), jnp.float32) * s
    return inp

def reference(x, edge_index, g, Wl0, bl0, Wr0, Wl1, bl1, Wr1, Wl2, bl2, Wr2):
    # dropout is identity in eval mode; g is unused by the module's forward
    src, dst = edge_index[0], edge_index[1]
    h = _sage(x, src, dst, Wl0, bl0, Wr0)
    h = jax.nn.relu(h)
    h = _sage(h, src, dst, Wl1, bl1, Wr1)
    h = jax.nn.relu(h)
    h = _sage(h, src, dst, Wl2, bl2, Wr2)
    return jnp.tanh(h)

if __name__ == "__main__":
    import jax
    _d = setup_inputs()
    print(jax.jit(kernel)(*tuple(_d.values())))

</pallas_src>

<mosaic_0001>
#map = affine_map<(d0, d1) -> (0, 0)>
#map1 = affine_map<(d0, d1) -> (0)>
module attributes {stable_mosaic.version = 14 : i64} {
  func.func @_agg_only_body(%arg0: i32, %arg1: i32, %arg2: memref<10000x128xf32, #tpu.memory_space<hbm>>, %arg3: memref<320000xi32, #tpu.memory_space<hbm>>, %arg4: memref<320000xi32, #tpu.memory_space<hbm>>, %arg5: memref<632x128xf32, #tpu.memory_space<hbm>>, %arg6: memref<20224x128xf32, #tpu.memory_space<hbm>>, %arg7: memref<10000xi32, #tpu.memory_space<vmem>>, %arg8: memref<128xi32, #tpu.memory_space<vmem>>, %arg9: memref<128xi32, #tpu.memory_space<vmem>>, %arg10: memref<16xi32, #tpu.memory_space<vmem>>, %arg11: memref<128x128xf32, #tpu.memory_space<vmem>>, %arg12: memref<128x128xf32, #tpu.memory_space<vmem>>, %arg13: memref<16x128xf32, #tpu.memory_space<vmem>>, %arg14: memref<128xf32, #tpu.memory_space<vmem>>, %arg15: memref<128xf32, #tpu.memory_space<vmem>>, %arg16: memref<10112x128xf32, #tpu.memory_space<vmem_shared>>, %arg17: memref<10112xf32, #tpu.memory_space<vmem_shared>>, %arg18: memref<!tpu.dma_semaphore, #tpu.memory_space<semaphore_mem>>, %arg19: memref<!tpu.dma_semaphore, #tpu.memory_space<semaphore_mem>>, %arg20: memref<!tpu.dma_semaphore, #tpu.memory_space<semaphore_mem>>, %arg21: memref<!tpu.dma_semaphore, #tpu.memory_space<semaphore_mem>>, %arg22: memref<!tpu.dma_semaphore, #tpu.memory_space<semaphore_mem>>, %arg23: memref<!tpu.dma_semaphore, #tpu.memory_space<semaphore_mem>>, %arg24: memref<!tpu.dma_semaphore, #tpu.memory_space<semaphore_mem>>) attributes {dimension_semantics = [#tpu.dimension_semantics<core_parallel>, #tpu.dimension_semantics<subcore_parallel>], iteration_bounds = array<i64: 2, 16>, scalar_prefetch = 0 : i64, scratch_operands = 18 : i64, tpu.core_type = #tpu.core_type<sc_vector_subcore>, window_params = [{transform_indices = #map}, {transform_indices = #map1}, {transform_indices = #map1}, {transform_indices = #map}, {transform_indices = #map}]} {
    %mul3A = arith.constant 2 : i32
    %mul3A_0 = arith.muli %arg1, %mul3A : i32
    %add3A = arith.addi %mul3A_0, %arg0 : i32
    %mul3A_1 = arith.constant 10000 : i32
    %mul3A_2 = arith.muli %add3A, %mul3A_1 : i32
    %mul3A_3 = arith.constant 632 : i32
    %mul3A_4 = arith.muli %arg1, %mul3A_3 : i32
    %dma_start3A = arith.constant 0 : i32
    %dma_start3A_5 = tpu.memref_slice %arg16[%mul3A_4, %dma_start3A] : memref<10112x128xf32, #tpu.memory_space<vmem_shared>> -> memref<632x128xf32, #tpu.memory_space<vmem_shared>>
    tpu.enqueue_dma source(%arg5 : memref<632x128xf32, #tpu.memory_space<hbm>>) target(%dma_start3A_5 : memref<632x128xf32, #tpu.memory_space<vmem_shared>>) target_semaphore(%arg23 : memref<!tpu.dma_semaphore, #tpu.memory_space<semaphore_mem>>)
    "tpu.region"() ({
      %run_scoped3A = tpu.sem_alloc : memref<!tpu.dma_semaphore, #tpu.memory_space<semaphore_mem>>
      %dma_start3A_47 = tpu.memref_slice %arg3[%mul3A_2] : memref<320000xi32, #tpu.memory_space<hbm>> -> memref<10000xi32, #tpu.memory_space<hbm>>
      %dma_start3A_48 = tpu.memref_slice %arg3[%mul3A_2] : memref<320000xi32, #tpu.memory_space<hbm>> -> memref<10000xi32, #tpu.memory_space<hbm>>
      tpu.enqueue_dma source(%dma_start3A_48 : memref<10000xi32, #tpu.memory_space<hbm>>) target(%arg7 : memref<10000xi32, #tpu.memory_space<vmem>>) target_semaphore(%run_scoped3A : memref<!tpu.dma_semaphore, #tpu.memory_space<semaphore_mem>>)
      %dma_wait3A_49 = tpu.memref_slice %arg3[%mul3A_2] : memref<320000xi32, #tpu.memory_space<hbm>> -> memref<10000xi32, #tpu.memory_space<hbm>>
      %dma_wait3A_50 = tpu.memref_slice %arg3[%mul3A_2] : memref<320000xi32, #tpu.memory_space<hbm>> -> memref<10000xi32, #tpu.memory_space<hbm>>
      tpu.wait_dma2 semaphore(%run_scoped3A : memref<!tpu.dma_semaphore, #tpu.memory_space<semaphore_mem>>) src(%dma_wait3A_50 : memref<10000xi32, #tpu.memory_space<hbm>>) dst(%arg7 : memref<10000xi32, #tpu.memory_space<vmem>>)
      tpu.yield
    }) : () -> ()
    %add3A_6 = arith.constant 0 : i32
    %add3A_7 = arith.addi %mul3A_2, %add3A_6 : i32
    %dma_start3A_8 = tpu.memref_slice %arg4[%add3A_7] : memref<320000xi32, #tpu.memory_space<hbm>> -> memref<128xi32, #tpu.memory_space<hbm>>
    %dma_start3A_9 = tpu.memref_slice %arg4[%add3A_7] : memref<320000xi32, #tpu.memory_space<hbm>> -> memref<128xi32, #tpu.memory_space<hbm>>
    tpu.enqueue_dma source(%dma_start3A_9 : memref<128xi32, #tpu.memory_space<hbm>>) target(%arg8 : memref<128xi32, #tpu.memory_space<vmem>>) target_semaphore(%arg20 : memref<!tpu.dma_semaphore, #tpu.memory_space<semaphore_mem>>)
    %dma_start3A_10 = arith.constant 0 : i32
    %dma_start3A_11 = tpu.memref_slice %arg7[%dma_start3A_10] : memref<10000xi32, #tpu.memory_space<vmem>> -> memref<128xi32, #tpu.memory_space<vmem>>
    %dma_start3A_12 = arith.constant 0 : i32
    %dma_start3A_13 = arith.constant 0 : i32
    %dma_start3A_14 = tpu.memref_slice %arg2[%dma_start3A_12, %dma_start3A_13] : memref<10000x128xf32, #tpu.memory_space<hbm>> -> memref<10000x128xf32, #tpu.memory_space<hbm>>
    tpu.enqueue_indirect_dma source(%dma_start3A_14 : memref<10000x128xf32, #tpu.memory_space<hbm>>) target(%arg11 : memref<128x128xf32, #tpu.memory_space<vmem>>) offsets(%dma_start3A_11 : memref<128xi32, #tpu.memory_space<vmem>>) semaphore(%arg18 : memref<!tpu.dma_semaphore, #tpu.memory_space<semaphore_mem>>)
    %add3A_15 = arith.constant 9984 : i32
    %add3A_16 = arith.addi %mul3A_2, %add3A_15 : i32
    %dma_start3A_17 = tpu.memref_slice %arg4[%add3A_16] : memref<320000xi32, #tpu.memory_space<hbm>> -> memref<16xi32, #tpu.memory_space<hbm>>
    %dma_start3A_18 = tpu.memref_slice %arg4[%add3A_16] : memref<320000xi32, #tpu.memory_space<hbm>> -> memref<16xi32, #tpu.memory_space<hbm>>
    tpu.enqueue_dma source(%dma_start3A_18 : memref<16xi32, #tpu.memory_space<hbm>>) target(%arg10 : memref<16xi32, #tpu.memory_space<vmem>>) target_semaphore(%arg24 : memref<!tpu.dma_semaphore, #tpu.memory_space<semaphore_mem>>)
    %dma_start3A_19 = arith.constant 9984 : i32
    %dma_start3A_20 = tpu.memref_slice %arg7[%dma_start3A_19] : memref<10000xi32, #tpu.memory_space<vmem>> -> memref<16xi32, #tpu.memory_space<vmem>>
    %dma_start3A_21 = arith.constant 0 : i32
    %dma_start3A_22 = arith.constant 0 : i32
    %dma_start3A_23 = tpu.memref_slice %arg2[%dma_start3A_21, %dma_start3A_22] : memref<10000x128xf32, #tpu.memory_space<hbm>> -> memref<10000x128xf32, #tpu.memory_space<hbm>>
    tpu.enqueue_indirect_dma source(%dma_start3A_23 : memref<10000x128xf32, #tpu.memory_space<hbm>>) target(%arg13 : memref<16x128xf32, #tpu.memory_space<vmem>>) offsets(%dma_start3A_20 : memref<16xi32, #tpu.memory_space<vmem>>) semaphore(%arg24 : memref<!tpu.dma_semaphore, #tpu.memory_space<semaphore_mem>>)
    %mul3A_24 = arith.constant 632 : i32
    %mul3A_25 = arith.muli %arg1, %mul3A_24 : i32
    %dma_wait3A = arith.constant 0 : i32
    %dma_wait3A_26 = tpu.memref_slice %arg16[%mul3A_25, %dma_wait3A] : memref<10112x128xf32, #tpu.memory_space<vmem_shared>> -> memref<632x128xf32, #tpu.memory_space<vmem_shared>>
    tpu.wait_dma2 semaphore(%arg23 : memref<!tpu.dma_semaphore, #tpu.memory_space<semaphore_mem>>) src(%arg5 : memref<632x128xf32, #tpu.memory_space<hbm>>) dst(%dma_wait3A_26 : memref<632x128xf32, #tpu.memory_space<vmem_shared>>)
    %barrier3A = arith.constant 0 : index
    tpu.barrier barrier_id(%barrier3A)
    %scan3A = arith.constant 0 : i32
    %scan3A_27 = arith.constant 0 : i32
    %scan3A_28 = arith.constant 39 : i32
    %scan3A_29 = arith.addi %scan3A_27, %scan3A_28 : i32
    %scan3A_30 = arith.constant 1 : i32
    scf.for %scan3A_47 = %scan3A_27 to %scan3A_29 step %scan3A_30  : i32 {
      %mul3A_48 = arith.constant 2 : i32
      %mul3A_49 = arith.muli %mul3A_48, %scan3A_47 : i32
      %add3A_50 = arith.constant 1 : i32
      %add3A_51 = arith.addi %mul3A_49, %add3A_50 : i32
      %mul3A_52 = arith.constant 128 : i32
      %mul3A_53 = arith.muli %add3A_51, %mul3A_52 : i32
      %add3A_54 = arith.addi %mul3A_2, %mul3A_53 : i32
      %dma_start3A_55 = tpu.memref_slice %arg4[%add3A_54] : memref<320000xi32, #tpu.memory_space<hbm>> -> memref<128xi32, #tpu.memory_space<hbm>>
      %dma_start3A_56 = tpu.memref_slice %arg4[%add3A_54] : memref<320000xi32, #tpu.memory_space<hbm>> -> memref<128xi32, #tpu.memory_space<hbm>>
      tpu.enqueue_dma source(%dma_start3A_56 : memref<128xi32, #tpu.memory_space<hbm>>) target(%arg9 : memref<128xi32, #tpu.memory_space<vmem>>) target_semaphore(%arg21 : memref<!tpu.dma_semaphore, #tpu.memory_space<semaphore_mem>>)
      %mul3A_57 = arith.constant 128 : i32
      %mul3A_58 = arith.muli %add3A_51, %mul3A_57 : i32
      %dma_start3A_59 = tpu.memref_slice %arg7[%mul3A_58] : memref<10000xi32, #tpu.memory_space<vmem>> -> memref<128xi32, #tpu.memory_space<vmem>>
      %dma_start3A_60 = arith.constant 0 : i32
      %dma_start3A_61 = arith.constant 0 : i32
      %dma_start3A_62 = tpu.memref_slice %arg2[%dma_start3A_60, %dma_start3A_61] : memref<10000x128xf32, #tpu.memory_space<hbm>> -> memref<10000x128xf32, #tpu.memory_space<hbm>>
      tpu.enqueue_indirect_dma source(%dma_start3A_62 : memref<10000x128xf32, #tpu.memory_space<hbm>>) target(%arg12 : memref<128x128xf32, #tpu.memory_space<vmem>>) offsets(%dma_start3A_59 : memref<128xi32, #tpu.memory_space<vmem>>) semaphore(%arg19 : memref<!tpu.dma_semaphore, #tpu.memory_space<semaphore_mem>>)
      %mul3A_63 = arith.constant 128 : i32
      %mul3A_64 = arith.muli %mul3A_49, %mul3A_63 : i32
      %dma_wait3A_65 = tpu.memref_slice %arg7[%mul3A_64] : memref<10000xi32, #tpu.memory_space<vmem>> -> memref<128xi32, #tpu.memory_space<vmem>>
      %dma_wait3A_66 = arith.constant 0 : i32
      %dma_wait3A_67 = arith.constant 0 : i32
      %dma_wait3A_68 = tpu.memref_slice %arg2[%dma_wait3A_66, %dma_wait3A_67] : memref<10000x128xf32, #tpu.memory_space<hbm>> -> memref<10000x128xf32, #tpu.memory_space<hbm>>
      tpu.wait_indirect_dma semaphore(%arg18 : memref<!tpu.dma_semaphore, #tpu.memory_space<semaphore_mem>>) src(%dma_wait3A_68 : memref<10000x128xf32, #tpu.memory_space<hbm>>) dst(%arg11 : memref<128x128xf32, #tpu.memory_space<vmem>>)
      %mul3A_69 = arith.constant 128 : i32
      %mul3A_70 = arith.muli %mul3A_49, %mul3A_69 : i32
      %add3A_71 = arith.addi %mul3A_2, %mul3A_70 : i32
      %dma_wait3A_72 = tpu.memref_slice %arg4[%add3A_71] : memref<320000xi32, #tpu.memory_space<hbm>> -> memref<128xi32, #tpu.memory_space<hbm>>
      %dma_wait3A_73 = tpu.memref_slice %arg4[%add3A_71] : memref<320000xi32, #tpu.memory_space<hbm>> -> memref<128xi32, #tpu.memory_space<hbm>>
      tpu.wait_dma2 semaphore(%arg20 : memref<!tpu.dma_semaphore, #tpu.memory_space<semaphore_mem>>) src(%dma_wait3A_73 : memref<128xi32, #tpu.memory_space<hbm>>) dst(%arg8 : memref<128xi32, #tpu.memory_space<vmem>>)
      "tpu.region"() ({
        %run_scoped3A = tpu.sem_alloc : memref<!tpu.dma_semaphore, #tpu.memory_space<semaphore_mem>>
        %dma_start3A_87 = arith.constant 0 : i32
        %dma_start3A_88 = arith.constant 0 : i32
        %dma_start3A_89 = tpu.memref_slice %arg16[%dma_start3A_87, %dma_start3A_88] : memref<10112x128xf32, #tpu.memory_space<vmem_shared>> -> memref<10112x128xf32, #tpu.memory_space<vmem_shared>>
        tpu.enqueue_indirect_dma source(%arg11 : memref<128x128xf32, #tpu.memory_space<vmem>>) target(%dma_start3A_89 : memref<10112x128xf32, #tpu.memory_space<vmem_shared>>) offsets(%arg8 : memref<128xi32, #tpu.memory_space<vmem>>) semaphore(%run_scoped3A : memref<!tpu.dma_semaphore, #tpu.memory_space<semaphore_mem>>) {add = true}
        %dma_wait3A_90 = arith.constant 0 : i32
        %dma_wait3A_91 = arith.constant 0 : i32
        %dma_wait3A_92 = tpu.memref_slice %arg16[%dma_wait3A_90, %dma_wait3A_91] : memref<10112x128xf32, #tpu.memory_space<vmem_shared>> -> memref<10112x128xf32, #tpu.memory_space<vmem_shared>>
        tpu.wait_indirect_dma semaphore(%run_scoped3A : memref<!tpu.dma_semaphore, #tpu.memory_space<semaphore_mem>>) src(%arg11 : memref<128x128xf32, #tpu.memory_space<vmem>>) dst(%dma_wait3A_92 : memref<10112x128xf32, #tpu.memory_space<vmem_shared>>)
        tpu.yield
      }) : () -> ()
      %lt3A = arith.constant 38 : i32
      %lt3A_74 = arith.cmpi slt, %scan3A_47, %lt3A : i32
      %convert_element_type3A = arith.extui %lt3A_74 : i1 to i32
      %cond3A = arith.constant 0 : i32
      %cond3A_75 = arith.cmpi ne, %convert_element_type3A, %cond3A : i32
      scf.if %cond3A_75 {
        %add3A_87 = arith.constant 2 : i32
        %add3A_88 = arith.addi %mul3A_49, %add3A_87 : i32
        %mul3A_89 = arith.constant 128 : i32
        %mul3A_90 = arith.muli %add3A_88, %mul3A_89 : i32
        %add3A_91 = arith.addi %mul3A_2, %mul3A_90 : i32
        %dma_start3A_92 = tpu.memref_slice %arg4[%add3A_91] : memref<320000xi32, #tpu.memory_space<hbm>> -> memref<128xi32, #tpu.memory_space<hbm>>
        %dma_start3A_93 = tpu.memref_slice %arg4[%add3A_91] : memref<320000xi32, #tpu.memory_space<hbm>> -> memref<128xi32, #tpu.memory_space<hbm>>
        tpu.enqueue_dma source(%dma_start3A_93 : memref<128xi32, #tpu.memory_space<hbm>>) target(%arg8 : memref<128xi32, #tpu.memory_space<vmem>>) target_semaphore(%arg20 : memref<!tpu.dma_semaphore, #tpu.memory_space<semaphore_mem>>)
        %add3A_94 = arith.constant 2 : i32
        %add3A_95 = arith.addi %mul3A_49, %add3A_94 : i32
        %mul3A_96 = arith.constant 128 : i32
        %mul3A_97 = arith.muli %add3A_95, %mul3A_96 : i32
        %dma_start3A_98 = tpu.memref_slice %arg7[%mul3A_97] : memref<10000xi32, #tpu.memory_space<vmem>> -> memref<128xi32, #tpu.memory_space<vmem>>
        %dma_start3A_99 = arith.constant 0 : i32
        %dma_start3A_100 = arith.constant 0 : i32
        %dma_start3A_101 = tpu.memref_slice %arg2[%dma_start3A_99, %dma_start3A_100] : memref<10000x128xf32, #tpu.memory_space<hbm>> -> memref<10000x128xf32, #tpu.memory_space<hbm>>
        tpu.enqueue_indirect_dma source(%dma_start3A_101 : memref<10000x128xf32, #tpu.memory_space<hbm>>) target(%arg11 : memref<128x128xf32, #tpu.memory_space<vmem>>) offsets(%dma_start3A_98 : memref<128xi32, #tpu.memory_space<vmem>>) semaphore(%arg18 : memref<!tpu.dma_semaphore, #tpu.memory_space<semaphore_mem>>)
      } else {
      }
      %mul3A_76 = arith.constant 128 : i32
      %mul3A_77 = arith.muli %add3A_51, %mul3A_76 : i32
      %dma_wait3A_78 = tpu.memref_slice %arg7[%mul3A_77] : memref<10000xi32, #tpu.memory_space<vmem>> -> memref<128xi32, #tpu.memory_space<vmem>>
      %dma_wait3A_79 = arith.constant 0 : i32
      %dma_wait3A_80 = arith.constant 0 : i32
      %dma_wait3A_81 = tpu.memref_slice %arg2[%dma_wait3A_79, %dma_wait3A_80] : memref<10000x128xf32, #tpu.memory_space<hbm>> -> memref<10000x128xf32, #tpu.memory_space<hbm>>
      tpu.wait_indirect_dma semaphore(%arg19 : memref<!tpu.dma_semaphore, #tpu.memory_space<semaphore_mem>>) src(%dma_wait3A_81 : memref<10000x128xf32, #tpu.memory_space<hbm>>) dst(%arg12 : memref<128x128xf32, #tpu.memory_space<vmem>>)
      %mul3A_82 = arith.constant 128 : i32
      %mul3A_83 = arith.muli %add3A_51, %mul3A_82 : i32
      %add3A_84 = arith.addi %mul3A_2, %mul3A_83 : i32
      %dma_wait3A_85 = tpu.memref_slice %arg4[%add3A_84] : memref<320000xi32, #tpu.memory_space<hbm>> -> memref<128xi32, #tpu.memory_space<hbm>>
      %dma_wait3A_86 = tpu.memref_slice %arg4[%add3A_84] : memref<320000xi32, #tpu.memory_space<hbm>> -> memref<128xi32, #tpu.memory_space<hbm>>
      tpu.wait_dma2 semaphore(%arg21 : memref<!tpu.dma_semaphore, #tpu.memory_space<semaphore_mem>>) src(%dma_wait3A_86 : memref<128xi32, #tpu.memory_space<hbm>>) dst(%arg9 : memref<128xi32, #tpu.memory_space<vmem>>)
      "tpu.region"() ({
        %run_scoped3A = tpu.sem_alloc : memref<!tpu.dma_semaphore, #tpu.memory_space<semaphore_mem>>
        %dma_start3A_87 = arith.constant 0 : i32
        %dma_start3A_88 = arith.constant 0 : i32
        %dma_start3A_89 = tpu.memref_slice %arg16[%dma_start3A_87, %dma_start3A_88] : memref<10112x128xf32, #tpu.memory_space<vmem_shared>> -> memref<10112x128xf32, #tpu.memory_space<vmem_shared>>
        tpu.enqueue_indirect_dma source(%arg12 : memref<128x128xf32, #tpu.memory_space<vmem>>) target(%dma_start3A_89 : memref<10112x128xf32, #tpu.memory_space<vmem_shared>>) offsets(%arg9 : memref<128xi32, #tpu.memory_space<vmem>>) semaphore(%run_scoped3A : memref<!tpu.dma_semaphore, #tpu.memory_space<semaphore_mem>>) {add = true}
        %dma_wait3A_90 = arith.constant 0 : i32
        %dma_wait3A_91 = arith.constant 0 : i32
        %dma_wait3A_92 = tpu.memref_slice %arg16[%dma_wait3A_90, %dma_wait3A_91] : memref<10112x128xf32, #tpu.memory_space<vmem_shared>> -> memref<10112x128xf32, #tpu.memory_space<vmem_shared>>
        tpu.wait_indirect_dma semaphore(%run_scoped3A : memref<!tpu.dma_semaphore, #tpu.memory_space<semaphore_mem>>) src(%arg12 : memref<128x128xf32, #tpu.memory_space<vmem>>) dst(%dma_wait3A_92 : memref<10112x128xf32, #tpu.memory_space<vmem_shared>>)
        tpu.yield
      }) : () -> ()
    }
    %scan3A_31 = arith.constant 39 : i32
    %dma_wait3A_32 = tpu.memref_slice %arg4[%add3A_16] : memref<320000xi32, #tpu.memory_space<hbm>> -> memref<16xi32, #tpu.memory_space<hbm>>
    %dma_wait3A_33 = tpu.memref_slice %arg4[%add3A_16] : memref<320000xi32, #tpu.memory_space<hbm>> -> memref<16xi32, #tpu.memory_space<hbm>>
    tpu.wait_dma2 semaphore(%arg24 : memref<!tpu.dma_semaphore, #tpu.memory_space<semaphore_mem>>) src(%dma_wait3A_33 : memref<16xi32, #tpu.memory_space<hbm>>) dst(%arg10 : memref<16xi32, #tpu.memory_space<vmem>>)
    %dma_wait3A_34 = arith.constant 9984 : i32
    %dma_wait3A_35 = tpu.memref_slice %arg7[%dma_wait3A_34] : memref<10000xi32, #tpu.memory_space<vmem>> -> memref<16xi32, #tpu.memory_space<vmem>>
    %dma_wait3A_36 = arith.constant 0 : i32
    %dma_wait3A_37 = arith.constant 0 : i32
    %dma_wait3A_38 = tpu.memref_slice %arg2[%dma_wait3A_36, %dma_wait3A_37] : memref<10000x128xf32, #tpu.memory_space<hbm>> -> memref<10000x128xf32, #tpu.memory_space<hbm>>
    tpu.wait_indirect_dma semaphore(%arg24 : memref<!tpu.dma_semaphore, #tpu.memory_space<semaphore_mem>>) src(%dma_wait3A_38 : memref<10000x128xf32, #tpu.memory_space<hbm>>) dst(%arg13 : memref<16x128xf32, #tpu.memory_space<vmem>>)
    "tpu.region"() ({
      %run_scoped3A = tpu.sem_alloc : memref<!tpu.dma_semaphore, #tpu.memory_space<semaphore_mem>>
      %dma_start3A_47 = arith.constant 0 : i32
      %dma_start3A_48 = arith.constant 0 : i32
      %dma_start3A_49 = tpu.memref_slice %arg16[%dma_start3A_47, %dma_start3A_48] : memref<10112x128xf32, #tpu.memory_space<vmem_shared>> -> memref<10112x128xf32, #tpu.memory_space<vmem_shared>>
      tpu.enqueue_indirect_dma source(%arg13 : memref<16x128xf32, #tpu.memory_space<vmem>>) target(%dma_start3A_49 : memref<10112x128xf32, #tpu.memory_space<vmem_shared>>) offsets(%arg10 : memref<16xi32, #tpu.memory_space<vmem>>) semaphore(%run_scoped3A : memref<!tpu.dma_semaphore, #tpu.memory_space<semaphore_mem>>) {add = true}
      %dma_wait3A_50 = arith.constant 0 : i32
      %dma_wait3A_51 = arith.constant 0 : i32
      %dma_wait3A_52 = tpu.memref_slice %arg16[%dma_wait3A_50, %dma_wait3A_51] : memref<10112x128xf32, #tpu.memory_space<vmem_shared>> -> memref<10112x128xf32, #tpu.memory_space<vmem_shared>>
      tpu.wait_indirect_dma semaphore(%run_scoped3A : memref<!tpu.dma_semaphore, #tpu.memory_space<semaphore_mem>>) src(%arg13 : memref<16x128xf32, #tpu.memory_space<vmem>>) dst(%dma_wait3A_52 : memref<10112x128xf32, #tpu.memory_space<vmem_shared>>)
      tpu.yield
    }) : () -> ()
    %barrier3A_39 = arith.constant 0 : index
    tpu.barrier barrier_id(%barrier3A_39)
    %mul3A_40 = arith.constant 632 : i32
    %mul3A_41 = arith.muli %arg1, %mul3A_40 : i32
    %mul3A_42 = arith.constant 10112 : i32
    %mul3A_43 = arith.muli %arg0, %mul3A_42 : i32
    %mul3A_44 = arith.constant 632 : i32
    %mul3A_45 = arith.muli %arg1, %mul3A_44 : i32
    %add3A_46 = arith.addi %mul3A_43, %mul3A_45 : i32
    "tpu.region"() ({
      %run_scoped3A = tpu.sem_alloc : memref<!tpu.dma_semaphore, #tpu.memory_space<semaphore_mem>>
      %dma_start3A_47 = arith.constant 0 : i32
      %dma_start3A_48 = tpu.memref_slice %arg6[%add3A_46, %dma_start3A_47] : memref<20224x128xf32, #tpu.memory_space<hbm>> -> memref<632x128xf32, #tpu.memory_space<hbm>>
      %dma_start3A_49 = arith.constant 0 : i32
      %dma_start3A_50 = tpu.memref_slice %arg16[%mul3A_41, %dma_start3A_49] : memref<10112x128xf32, #tpu.memory_space<vmem_shared>> -> memref<632x128xf32, #tpu.memory_space<vmem_shared>>
      tpu.enqueue_dma source(%dma_start3A_50 : memref<632x128xf32, #tpu.memory_space<vmem_shared>>) target(%dma_start3A_48 : memref<632x128xf32, #tpu.memory_space<hbm>>) target_semaphore(%run_scoped3A : memref<!tpu.dma_semaphore, #tpu.memory_space<semaphore_mem>>)
      %dma_wait3A_51 = arith.constant 0 : i32
      %dma_wait3A_52 = tpu.memref_slice %arg6[%add3A_46, %dma_wait3A_51] : memref<20224x128xf32, #tpu.memory_space<hbm>> -> memref<632x128xf32, #tpu.memory_space<hbm>>
      %dma_wait3A_53 = arith.constant 0 : i32
      %dma_wait3A_54 = tpu.memref_slice %arg16[%mul3A_41, %dma_wait3A_53] : memref<10112x128xf32, #tpu.memory_space<vmem_shared>> -> memref<632x128xf32, #tpu.memory_space<vmem_shared>>
      tpu.wait_dma2 semaphore(%run_scoped3A : memref<!tpu.dma_semaphore, #tpu.memory_space<semaphore_mem>>) src(%dma_wait3A_54 : memref<632x128xf32, #tpu.memory_space<vmem_shared>>) dst(%dma_wait3A_52 : memref<632x128xf32, #tpu.memory_space<hbm>>)
      tpu.yield
    }) : () -> ()
    return
  }
}

#map = affine_map<(d0, d1) -> (0, 0)>
#map1 = affine_map<(d0, d1) -> (0)>
module attributes {stable_mosaic.version = 14 : i64} {
  func.func @_lambda_(%arg0: i32, %arg1: i32, %arg2: memref<10000x128xf32, #tpu.memory_space<hbm>>, %arg3: memref<320000xi32, #tpu.memory_space<hbm>>, %arg4: memref<320000xi32, #tpu.memory_space<hbm>>, %arg5: memref<632x128xf32, #tpu.memory_space<hbm>>, %arg6: memref<20224x128xf32, #tpu.memory_space<hbm>>, %arg7: memref<20224xf32, #tpu.memory_space<hbm>>, %arg8: memref<10000xi32, #tpu.memory_space<vmem>>, %arg9: memref<128xi32, #tpu.memory_space<vmem>>, %arg10: memref<128xi32, #tpu.memory_space<vmem>>, %arg11: memref<16xi32, #tpu.memory_space<vmem>>, %arg12: memref<128x128xf32, #tpu.memory_space<vmem>>, %arg13: memref<128x128xf32, #tpu.memory_space<vmem>>, %arg14: memref<16x128xf32, #tpu.memory_space<vmem>>, %arg15: memref<128xf32, #tpu.memory_space<vmem>>, %arg16: memref<128xf32, #tpu.memory_space<vmem>>, %arg17: memref<10112x128xf32, #tpu.memory_space<vmem_shared>>, %arg18: memref<10112xf32, #tpu.memory_space<vmem_shared>>, %arg19: memref<!tpu.dma_semaphore, #tpu.memory_space<semaphore_mem>>, %arg20: memref<!tpu.dma_semaphore, #tpu.memory_space<semaphore_mem>>, %arg21: memref<!tpu.dma_semaphore, #tpu.memory_space<semaphore_mem>>, %arg22: memref<!tpu.dma_semaphore, #tpu.memory_space<semaphore_mem>>, %arg23: memref<!tpu.dma_semaphore, #tpu.memory_space<semaphore_mem>>, %arg24: memref<!tpu.dma_semaphore, #tpu.memory_space<semaphore_mem>>, %arg25: memref<!tpu.dma_semaphore, #tpu.memory_space<semaphore_mem>>) attributes {dimension_semantics = [#tpu.dimension_semantics<core_parallel>, #tpu.dimension_semantics<subcore_parallel>], iteration_bounds = array<i64: 2, 16>, scalar_prefetch = 0 : i64, scratch_operands = 18 : i64, tpu.core_type = #tpu.core_type<sc_vector_subcore>, window_params = [{transform_indices = #map}, {transform_indices = #map1}, {transform_indices = #map1}, {transform_indices = #map}, {transform_indices = #map}, {transform_indices = #map1}]} {
    %mul3A = arith.constant 2 : i32
    %mul3A_0 = arith.muli %arg1, %mul3A : i32
    %add3A = arith.addi %mul3A_0, %arg0 : i32
    %mul3A_1 = arith.constant 10000 : i32
    %mul3A_2 = arith.muli %add3A, %mul3A_1 : i32
    %mul3A_3 = arith.constant 632 : i32
    %mul3A_4 = arith.muli %arg1, %mul3A_3 : i32
    %dma_start3A = arith.constant 0 : i32
    %dma_start3A_5 = tpu.memref_slice %arg17[%mul3A_4, %dma_start3A] : memref<10112x128xf32, #tpu.memory_space<vmem_shared>> -> memref<632x128xf32, #tpu.memory_space<vmem_shared>>
    tpu.enqueue_dma source(%arg5 : memref<632x128xf32, #tpu.memory_space<hbm>>) target(%dma_start3A_5 : memref<632x128xf32, #tpu.memory_space<vmem_shared>>) target_semaphore(%arg24 : memref<!tpu.dma_semaphore, #tpu.memory_space<semaphore_mem>>)
    "tpu.region"() ({
      %run_scoped3A = tpu.sem_alloc : memref<!tpu.dma_semaphore, #tpu.memory_space<semaphore_mem>>
      %dma_start3A_161 = tpu.memref_slice %arg3[%mul3A_2] : memref<320000xi32, #tpu.memory_space<hbm>> -> memref<10000xi32, #tpu.memory_space<hbm>>
      %dma_start3A_162 = tpu.memref_slice %arg3[%mul3A_2] : memref<320000xi32, #tpu.memory_space<hbm>> -> memref<10000xi32, #tpu.memory_space<hbm>>
      tpu.enqueue_dma source(%dma_start3A_162 : memref<10000xi32, #tpu.memory_space<hbm>>) target(%arg8 : memref<10000xi32, #tpu.memory_space<vmem>>) target_semaphore(%run_scoped3A : memref<!tpu.dma_semaphore, #tpu.memory_space<semaphore_mem>>)
      %dma_wait3A_163 = tpu.memref_slice %arg3[%mul3A_2] : memref<320000xi32, #tpu.memory_space<hbm>> -> memref<10000xi32, #tpu.memory_space<hbm>>
      %dma_wait3A_164 = tpu.memref_slice %arg3[%mul3A_2] : memref<320000xi32, #tpu.memory_space<hbm>> -> memref<10000xi32, #tpu.memory_space<hbm>>
      tpu.wait_dma2 semaphore(%run_scoped3A : memref<!tpu.dma_semaphore, #tpu.memory_space<semaphore_mem>>) src(%dma_wait3A_164 : memref<10000xi32, #tpu.memory_space<hbm>>) dst(%arg8 : memref<10000xi32, #tpu.memory_space<vmem>>)
      tpu.yield
    }) : () -> ()
    %broadcast_in_dim3A = arith.constant 1.000000e+00 : f32
    %broadcast_in_dim3A_6 = vector.broadcast %broadcast_in_dim3A : f32 to vector<16xf32>
    %swap3A = arith.constant 0 : index
    %swap3A_7 = tpu.vector_load %arg15[%swap3A] {strides = array<i32>} : memref<128xf32, #tpu.memory_space<vmem>>, vector<16xf32>,
    %swap3A_8 = vector.shape_cast %swap3A_7 : vector<16xf32> to vector<16xf32>
    %swap3A_9 = vector.shape_cast %broadcast_in_dim3A_6 : vector<16xf32> to vector<16xf32>
    tpu.vector_store %arg15[%swap3A], %swap3A_9 {strides = array<i32>} : memref<128xf32, #tpu.memory_space<vmem>>, vector<16xf32>,
    %broadcast_in_dim3A_10 = arith.constant 1.000000e+00 : f32
    %broadcast_in_dim3A_11 = vector.broadcast %broadcast_in_dim3A_10 : f32 to vector<16xf32>
    %swap3A_12 = arith.constant 16 : index
    %swap3A_13 = tpu.vector_load %arg15[%swap3A_12] {strides = array<i32>} : memref<128xf32, #tpu.memory_space<vmem>>, vector<16xf32>,
    %swap3A_14 = vector.shape_cast %swap3A_13 : vector<16xf32> to vector<16xf32>
    %swap3A_15 = vector.shape_cast %broadcast_in_dim3A_11 : vector<16xf32> to vector<16xf32>
    tpu.vector_store %arg15[%swap3A_12], %swap3A_15 {strides = array<i32>} : memref<128xf32, #tpu.memory_space<vmem>>, vector<16xf32>,
    %broadcast_in_dim3A_16 = arith.constant 1.000000e+00 : f32
    %broadcast_in_dim3A_17 = vector.broadcast %broadcast_in_dim3A_16 : f32 to vector<16xf32>
    %swap3A_18 = arith.constant 32 : index
    %swap3A_19 = tpu.vector_load %arg15[%swap3A_18] {strides = array<i32>} : memref<128xf32, #tpu.memory_space<vmem>>, vector<16xf32>,
    %swap3A_20 = vector.shape_cast %swap3A_19 : vector<16xf32> to vector<16xf32>
    %swap3A_21 = vector.shape_cast %broadcast_in_dim3A_17 : vector<16xf32> to vector<16xf32>
    tpu.vector_store %arg15[%swap3A_18], %swap3A_21 {strides = array<i32>} : memref<128xf32, #tpu.memory_space<vmem>>, vector<16xf32>,
    %broadcast_in_dim3A_22 = arith.constant 1.000000e+00 : f32
    %broadcast_in_dim3A_23 = vector.broadcast %broadcast_in_dim3A_22 : f32 to vector<16xf32>
    %swap3A_24 = arith.constant 48 : index
    %swap3A_25 = tpu.vector_load %arg15[%swap3A_24] {strides = array<i32>} : memref<128xf32, #tpu.memory_space<vmem>>, vector<16xf32>,
    %swap3A_26 = vector.shape_cast %swap3A_25 : vector<16xf32> to vector<16xf32>
    %swap3A_27 = vector.shape_cast %broadcast_in_dim3A_23 : vector<16xf32> to vector<16xf32>
    tpu.vector_store %arg15[%swap3A_24], %swap3A_27 {strides = array<i32>} : memref<128xf32, #tpu.memory_space<vmem>>, vector<16xf32>,
    %broadcast_in_dim3A_28 = arith.constant 1.000000e+00 : f32
    %broadcast_in_dim3A_29 = vector.broadcast %broadcast_in_dim3A_28 : f32 to vector<16xf32>
    %swap3A_30 = arith.constant 64 : index
    %swap3A_31 = tpu.vector_load %arg15[%swap3A_30] {strides = array<i32>} : memref<128xf32, #tpu.memory_space<vmem>>, vector<16xf32>,
    %swap3A_32 = vector.shape_cast %swap3A_31 : vector<16xf32> to vector<16xf32>
    %swap3A_33 = vector.shape_cast %broadcast_in_dim3A_29 : vector<16xf32> to vector<16xf32>
    tpu.vector_store %arg15[%swap3A_30], %swap3A_33 {strides = array<i32>} : memref<128xf32, #tpu.memory_space<vmem>>, vector<16xf32>,
    %broadcast_in_dim3A_34 = arith.constant 1.000000e+00 : f32
    %broadcast_in_dim3A_35 = vector.broadcast %broadcast_in_dim3A_34 : f32 to vector<16xf32>
    %swap3A_36 = arith.constant 80 : index
    %swap3A_37 = tpu.vector_load %arg15[%swap3A_36] {strides = array<i32>} : memref<128xf32, #tpu.memory_space<vmem>>, vector<16xf32>,
    %swap3A_38 = vector.shape_cast %swap3A_37 : vector<16xf32> to vector<16xf32>
    %swap3A_39 = vector.shape_cast %broadcast_in_dim3A_35 : vector<16xf32> to vector<16xf32>
    tpu.vector_store %arg15[%swap3A_36], %swap3A_39 {strides = array<i32>} : memref<128xf32, #tpu.memory_space<vmem>>, vector<16xf32>,
    %broadcast_in_dim3A_40 = arith.constant 1.000000e+00 : f32
    %broadcast_in_dim3A_41 = vector.broadcast %broadcast_in_dim3A_40 : f32 to vector<16xf32>
    %swap3A_42 = arith.constant 96 : index
    %swap3A_43 = tpu.vector_load %arg15[%swap3A_42] {strides = array<i32>} : memref<128xf32, #tpu.memory_space<vmem>>, vector<16xf32>,
    %swap3A_44 = vector.shape_cast %swap3A_43 : vector<16xf32> to vector<16xf32>
    %swap3A_45 = vector.shape_cast %broadcast_in_dim3A_41 : vector<16xf32> to vector<16xf32>
    tpu.vector_store %arg15[%swap3A_42], %swap3A_45 {strides = array<i32>} : memref<128xf32, #tpu.memory_space<vmem>>, vector<16xf32>,
    %broadcast_in_dim3A_46 = arith.constant 1.000000e+00 : f32
    %broadcast_in_dim3A_47 = vector.broadcast %broadcast_in_dim3A_46 : f32 to vector<16xf32>
    %swap3A_48 = arith.constant 112 : index
    %swap3A_49 = tpu.vector_load %arg15[%swap3A_48] {strides = array<i32>} : memref<128xf32, #tpu.memory_space<vmem>>, vector<16xf32>,
    %swap3A_50 = vector.shape_cast %swap3A_49 : vector<16xf32> to vector<16xf32>
    %swap3A_51 = vector.shape_cast %broadcast_in_dim3A_47 : vector<16xf32> to vector<16xf32>
    tpu.vector_store %arg15[%swap3A_48], %swap3A_51 {strides = array<i32>} : memref<128xf32, #tpu.memory_space<vmem>>, vector<16xf32>,
    %broadcast_in_dim3A_52 = arith.constant 0.000000e+00 : f32
    %broadcast_in_dim3A_53 = vector.broadcast %broadcast_in_dim3A_52 : f32 to vector<16xf32>
    %swap3A_54 = arith.constant 0 : index
    %swap3A_55 = tpu.vector_load %arg16[%swap3A_54] {strides = array<i32>} : memref<128xf32, #tpu.memory_space<vmem>>, vector<16xf32>,
    %swap3A_56 = vector.shape_cast %swap3A_55 : vector<16xf32> to vector<16xf32>
    %swap3A_57 = vector.shape_cast %broadcast_in_dim3A_53 : vector<16xf32> to vector<16xf32>
    tpu.vector_store %arg16[%swap3A_54], %swap3A_57 {strides = array<i32>} : memref<128xf32, #tpu.memory_space<vmem>>, vector<16xf32>,
    %broadcast_in_dim3A_58 = arith.constant 0.000000e+00 : f32
    %broadcast_in_dim3A_59 = vector.broadcast %broadcast_in_dim3A_58 : f32 to vector<16xf32>
    %swap3A_60 = arith.constant 16 : index
    %swap3A_61 = tpu.vector_load %arg16[%swap3A_60] {strides = array<i32>} : memref<128xf32, #tpu.memory_space<vmem>>, vector<16xf32>,
    %swap3A_62 = vector.shape_cast %swap3A_61 : vector<16xf32> to vector<16xf32>
    %swap3A_63 = vector.shape_cast %broadcast_in_dim3A_59 : vector<16xf32> to vector<16xf32>
    tpu.vector_store %arg16[%swap3A_60], %swap3A_63 {strides = array<i32>} : memref<128xf32, #tpu.memory_space<vmem>>, vector<16xf32>,
    %broadcast_in_dim3A_64 = arith.constant 0.000000e+00 : f32
    %broadcast_in_dim3A_65 = vector.broadcast %broadcast_in_dim3A_64 : f32 to vector<16xf32>
    %swap3A_66 = arith.constant 32 : index
    %swap3A_67 = tpu.vector_load %arg16[%swap3A_66] {strides = array<i32>} : memref<128xf32, #tpu.memory_space<vmem>>, vector<16xf32>,
    %swap3A_68 = vector.shape_cast %swap3A_67 : vector<16xf32> to vector<16xf32>
    %swap3A_69 = vector.shape_cast %broadcast_in_dim3A_65 : vector<16xf32> to vector<16xf32>
    tpu.vector_store %arg16[%swap3A_66], %swap3A_69 {strides = array<i32>} : memref<128xf32, #tpu.memory_space<vmem>>, vector<16xf32>,
    %broadcast_in_dim3A_70 = arith.constant 0.000000e+00 : f32
    %broadcast_in_dim3A_71 = vector.broadcast %broadcast_in_dim3A_70 : f32 to vector<16xf32>
    %swap3A_72 = arith.constant 48 : index
    %swap3A_73 = tpu.vector_load %arg16[%swap3A_72] {strides = array<i32>} : memref<128xf32, #tpu.memory_space<vmem>>, vector<16xf32>,
    %swap3A_74 = vector.shape_cast %swap3A_73 : vector<16xf32> to vector<16xf32>
    %swap3A_75 = vector.shape_cast %broadcast_in_dim3A_71 : vector<16xf32> to vector<16xf32>
    tpu.vector_store %arg16[%swap3A_72], %swap3A_75 {strides = array<i32>} : memref<128xf32, #tpu.memory_space<vmem>>, vector<16xf32>,
    %broadcast_in_dim3A_76 = arith.constant 0.000000e+00 : f32
    %broadcast_in_dim3A_77 = vector.broadcast %broadcast_in_dim3A_76 : f32 to vector<16xf32>
    %swap3A_78 = arith.constant 64 : index
    %swap3A_79 = tpu.vector_load %arg16[%swap3A_78] {strides = array<i32>} : memref<128xf32, #tpu.memory_space<vmem>>, vector<16xf32>,
    %swap3A_80 = vector.shape_cast %swap3A_79 : vector<16xf32> to vector<16xf32>
    %swap3A_81 = vector.shape_cast %broadcast_in_dim3A_77 : vector<16xf32> to vector<16xf32>
    tpu.vector_store %arg16[%swap3A_78], %swap3A_81 {strides = array<i32>} : memref<128xf32, #tpu.memory_space<vmem>>, vector<16xf32>,
    %broadcast_in_dim3A_82 = arith.constant 0.000000e+00 : f32
    %broadcast_in_dim3A_83 = vector.broadcast %broadcast_in_dim3A_82 : f32 to vector<16xf32>
    %swap3A_84 = arith.constant 80 : index
    %swap3A_85 = tpu.vector_load %arg16[%swap3A_84] {strides = array<i32>} : memref<128xf32, #tpu.memory_space<vmem>>, vector<16xf32>,
    %swap3A_86 = vector.shape_cast %swap3A_85 : vector<16xf32> to vector<16xf32>
    %swap3A_87 = vector.shape_cast %broadcast_in_dim3A_83 : vector<16xf32> to vector<16xf32>
    tpu.vector_store %arg16[%swap3A_84], %swap3A_87 {strides = array<i32>} : memref<128xf32, #tpu.memory_space<vmem>>, vector<16xf32>,
    %broadcast_in_dim3A_88 = arith.constant 0.000000e+00 : f32
    %broadcast_in_dim3A_89 = vector.broadcast %broadcast_in_dim3A_88 : f32 to vector<16xf32>
    %swap3A_90 = arith.constant 96 : index
    %swap3A_91 = tpu.vector_load %arg16[%swap3A_90] {strides = array<i32>} : memref<128xf32, #tpu.memory_space<vmem>>, vector<16xf32>,
    %swap3A_92 = vector.shape_cast %swap3A_91 : vector<16xf32> to vector<16xf32>
    %swap3A_93 = vector.shape_cast %broadcast_in_dim3A_89 : vector<16xf32> to vector<16xf32>
    tpu.vector_store %arg16[%swap3A_90], %swap3A_93 {strides = array<i32>} : memref<128xf32, #tpu.memory_space<vmem>>, vector<16xf32>,
    %broadcast_in_dim3A_94 = arith.constant 0.000000e+00 : f32
    %broadcast_in_dim3A_95 = vector.broadcast %broadcast_in_dim3A_94 : f32 to vector<16xf32>
    %swap3A_96 = arith.constant 112 : index
    %swap3A_97 = tpu.vector_load %arg16[%swap3A_96] {strides = array<i32>} : memref<128xf32, #tpu.memory_space<vmem>>, vector<16xf32>,
    %swap3A_98 = vector.shape_cast %swap3A_97 : vector<16xf32> to vector<16xf32>
    %swap3A_99 = vector.shape_cast %broadcast_in_dim3A_95 : vector<16xf32> to vector<16xf32>
    tpu.vector_store %arg16[%swap3A_96], %swap3A_99 {strides = array<i32>} : memref<128xf32, #tpu.memory_space<vmem>>, vector<16xf32>,
    %scan3A = arith.constant 0 : i32
    %scan3A_100 = arith.constant 0 : i32
    %scan3A_101 = arith.constant 5 : i32
    %scan3A_102 = arith.addi %scan3A_100, %scan3A_101 : i32
    %scan3A_103 = arith.constant 1 : i32
    scf.for %scan3A_161 = %scan3A_100 to %scan3A_102 step %scan3A_103  : i32 {
      %mul3A_162 = arith.constant 5 : i32
      %mul3A_163 = arith.muli %arg1, %mul3A_162 : i32
      %add3A_164 = arith.addi %mul3A_163, %scan3A_161 : i32
      %lt3A = arith.constant 79 : i32
      %lt3A_165 = arith.cmpi slt, %add3A_164, %lt3A : i32
      %convert_element_type3A = arith.extui %lt3A_165 : i1 to i32
      %cond3A = arith.constant 0 : i32
      %cond3A_166 = arith.cmpi ne, %convert_element_type3A, %cond3A : i32
      scf.if %cond3A_166 {
        %mul3A_167 = arith.constant 128 : i32
        %mul3A_168 = arith.muli %add3A_164, %mul3A_167 : i32
        "tpu.region"() ({
          %run_scoped3A = tpu.sem_alloc : memref<!tpu.dma_semaphore, #tpu.memory_space<semaphore_mem>>
          %dma_start3A_169 = tpu.memref_slice %arg18[%mul3A_168] : memref<10112xf32, #tpu.memory_space<vmem_shared>> -> memref<128xf32, #tpu.memory_space<vmem_shared>>
          %dma_start3A_170 = tpu.memref_slice %arg18[%mul3A_168] : memref<10112xf32, #tpu.memory_space<vmem_shared>> -> memref<128xf32, #tpu.memory_space<vmem_shared>>
          tpu.enqueue_dma source(%arg16 : memref<128xf32, #tpu.memory_space<vmem>>) target(%dma_start3A_170 : memref<128xf32, #tpu.memory_space<vmem_shared>>) target_semaphore(%run_scoped3A : memref<!tpu.dma_semaphore, #tpu.memory_space<semaphore_mem>>)
          %dma_wait3A_171 = tpu.memref_slice %arg18[%mul3A_168] : memref<10112xf32, #tpu.memory_space<vmem_shared>> -> memref<128xf32, #tpu.memory_space<vmem_shared>>
          %dma_wait3A_172 = tpu.memref_slice %arg18[%mul3A_168] : memref<10112xf32, #tpu.memory_space<vmem_shared>> -> memref<128xf32, #tpu.memory_space<vmem_shared>>
          tpu.wait_dma2 semaphore(%run_scoped3A : memref<!tpu.dma_semaphore, #tpu.memory_space<semaphore_mem>>) src(%arg16 : memref<128xf32, #tpu.memory_space<vmem>>) dst(%dma_wait3A_172 : memref<128xf32, #tpu.memory_space<vmem_shared>>)
          tpu.yield
        }) : () -> ()
      } else {
      }
    }
    %scan3A_104 = arith.constant 5 : i32
    %add3A_105 = arith.constant 0 : i32
    %add3A_106 = arith.addi %mul3A_2, %add3A_105 : i32
    %dma_start3A_107 = tpu.memref_slice %arg4[%add3A_106] : memref<320000xi32, #tpu.memory_space<hbm>> -> memref<128xi32, #tpu.memory_space<hbm>>
    %dma_start3A_108 = tpu.memref_slice %arg4[%add3A_106] : memref<320000xi32, #tpu.memory_space<hbm>> -> memref<128xi32, #tpu.memory_space<hbm>>
    tpu.enqueue_dma source(%dma_start3A_108 : memref<128xi32, #tpu.memory_space<hbm>>) target(%arg9 : memref<128xi32, #tpu.memory_space<vmem>>) target_semaphore(%arg21 : memref<!tpu.dma_semaphore, #tpu.memory_space<semaphore_mem>>)
    %dma_start3A_109 = arith.constant 0 : i32
    %dma_start3A_110 = tpu.memref_slice %arg8[%dma_start3A_109] : memref<10000xi32, #tpu.memory_space<vmem>> -> memref<128xi32, #tpu.memory_space<vmem>>
    %dma_start3A_111 = arith.constant 0 : i32
    %dma_start3A_112 = arith.constant 0 : i32
    %dma_start3A_113 = tpu.memref_slice %arg2[%dma_start3A_111, %dma_start3A_112] : memref<10000x128xf32, #tpu.memory_space<hbm>> -> memref<10000x128xf32, #tpu.memory_space<hbm>>
    tpu.enqueue_indirect_dma source(%dma_start3A_113 : memref<10000x128xf32, #tpu.memory_space<hbm>>) target(%arg12 : memref<128x128xf32, #tpu.memory_space<vmem>>) offsets(%dma_start3A_110 : memref<128xi32, #tpu.memory_space<vmem>>) semaphore(%arg19 : memref<!tpu.dma_semaphore, #tpu.memory_space<semaphore_mem>>)
    %add3A_114 = arith.constant 9984 : i32
    %add3A_115 = arith.addi %mul3A_2, %add3A_114 : i32
    %dma_start3A_116 = tpu.memref_slice %arg4[%add3A_115] : memref<320000xi32, #tpu.memory_space<hbm>> -> memref<16xi32, #tpu.memory_space<hbm>>
    %dma_start3A_117 = tpu.memref_slice %arg4[%add3A_115] : memref<320000xi32, #tpu.memory_space<hbm>> -> memref<16xi32, #tpu.memory_space<hbm>>
    tpu.enqueue_dma source(%dma_start3A_117 : memref<16xi32, #tpu.memory_space<hbm>>) target(%arg11 : memref<16xi32, #tpu.memory_space<vmem>>) target_semaphore(%arg25 : memref<!tpu.dma_semaphore, #tpu.memory_space<semaphore_mem>>)
    %dma_start3A_118 = arith.constant 9984 : i32
    %dma_start3A_119 = tpu.memref_slice %arg8[%dma_start3A_118] : memref<10000xi32, #tpu.memory_space<vmem>> -> memref<16xi32, #tpu.memory_space<vmem>>
    %dma_start3A_120 = arith.constant 0 : i32
    %dma_start3A_121 = arith.constant 0 : i32
    %dma_start3A_122 = tpu.memref_slice %arg2[%dma_start3A_120, %dma_start3A_121] : memref<10000x128xf32, #tpu.memory_space<hbm>> -> memref<10000x128xf32, #tpu.memory_space<hbm>>
    tpu.enqueue_indirect_dma source(%dma_start3A_122 : memref<10000x128xf32, #tpu.memory_space<hbm>>) target(%arg14 : memref<16x128xf32, #tpu.memory_space<vmem>>) offsets(%dma_start3A_119 : memref<16xi32, #tpu.memory_space<vmem>>) semaphore(%arg25 : memref<!tpu.dma_semaphore, #tpu.memory_space<semaphore_mem>>)
    %mul3A_123 = arith.constant 632 : i32
    %mul3A_124 = arith.muli %arg1, %mul3A_123 : i32
    %dma_wait3A = arith.constant 0 : i32
    %dma_wait3A_125 = tpu.memref_slice %arg17[%mul3A_124, %dma_wait3A] : memref<10112x128xf32, #tpu.memory_space<vmem_shared>> -> memref<632x128xf32, #tpu.memory_space<vmem_shared>>
    tpu.wait_dma2 semaphore(%arg24 : memref<!tpu.dma_semaphore, #tpu.memory_space<semaphore_mem>>) src(%arg5 : memref<632x128xf32, #tpu.memory_space<hbm>>) dst(%dma_wait3A_125 : memref<632x128xf32, #tpu.memory_space<vmem_shared>>)
    %barrier3A = arith.constant 0 : index
    tpu.barrier barrier_id(%barrier3A)
    %scan3A_126 = arith.constant 0 : i32
    %scan3A_127 = arith.constant 0 : i32
    %scan3A_128 = arith.constant 39 : i32
    %scan3A_129 = arith.addi %scan3A_127, %scan3A_128 : i32
    %scan3A_130 = arith.constant 1 : i32
    scf.for %scan3A_161 = %scan3A_127 to %scan3A_129 step %scan3A_130  : i32 {
      %mul3A_162 = arith.constant 2 : i32
      %mul3A_163 = arith.muli %mul3A_162, %scan3A_161 : i32
      %add3A_164 = arith.constant 1 : i32
      %add3A_165 = arith.addi %mul3A_163, %add3A_164 : i32
      %mul3A_166 = arith.constant 128 : i32
      %mul3A_167 = arith.muli %add3A_165, %mul3A_166 : i32
      %add3A_168 = arith.addi %mul3A_2, %mul3A_167 : i32
      %dma_start3A_169 = tpu.memref_slice %arg4[%add3A_168] : memref<320000xi32, #tpu.memory_space<hbm>> -> memref<128xi32, #tpu.memory_space<hbm>>
      %dma_start3A_170 = tpu.memref_slice %arg4[%add3A_168] : memref<320000xi32, #tpu.memory_space<hbm>> -> memref<128xi32, #tpu.memory_space<hbm>>
      tpu.enqueue_dma source(%dma_start3A_170 : memref<128xi32, #tpu.memory_space<hbm>>) target(%arg10 : memref<128xi32, #tpu.memory_space<vmem>>) target_semaphore(%arg22 : memref<!tpu.dma_semaphore, #tpu.memory_space<semaphore_mem>>)
      %mul3A_171 = arith.constant 128 : i32
      %mul3A_172 = arith.muli %add3A_165, %mul3A_171 : i32
      %dma_start3A_173 = tpu.memref_slice %arg8[%mul3A_172] : memref<10000xi32, #tpu.memory_space<vmem>> -> memref<128xi32, #tpu.memory_space<vmem>>
      %dma_start3A_174 = arith.constant 0 : i32
      %dma_start3A_175 = arith.constant 0 : i32
      %dma_start3A_176 = tpu.memref_slice %arg2[%dma_start3A_174, %dma_start3A_175] : memref<10000x128xf32, #tpu.memory_space<hbm>> -> memref<10000x128xf32, #tpu.memory_space<hbm>>
      tpu.enqueue_indirect_dma source(%dma_start3A_176 : memref<10000x128xf32, #tpu.memory_space<hbm>>) target(%arg13 : memref<128x128xf32, #tpu.memory_space<vmem>>) offsets(%dma_start3A_173 : memref<128xi32, #tpu.memory_space<vmem>>) semaphore(%arg20 : memref<!tpu.dma_semaphore, #tpu.memory_space<semaphore_mem>>)
      %mul3A_177 = arith.constant 128 : i32
      %mul3A_178 = arith.muli %mul3A_163, %mul3A_177 : i32
      %dma_wait3A_179 = tpu.memref_slice %arg8[%mul3A_178] : memref<10000xi32, #tpu.memory_space<vmem>> -> memref<128xi32, #tpu.memory_space<vmem>>
      %dma_wait3A_180 = arith.constant 0 : i32
      %dma_wait3A_181 = arith.constant 0 : i32
      %dma_wait3A_182 = tpu.memref_slice %arg2[%dma_wait3A_180, %dma_wait3A_181] : memref<10000x128xf32, #tpu.memory_space<hbm>> -> memref<10000x128xf32, #tpu.memory_space<hbm>>
      tpu.wait_indirect_dma semaphore(%arg19 : memref<!tpu.dma_semaphore, #tpu.memory_space<semaphore_mem>>) src(%dma_wait3A_182 : memref<10000x128xf32, #tpu.memory_space<hbm>>) dst(%arg12 : memref<128x128xf32, #tpu.memory_space<vmem>>)
      %mul3A_183 = arith.constant 128 : i32
      %mul3A_184 = arith.muli %mul3A_163, %mul3A_183 : i32
      %add3A_185 = arith.addi %mul3A_2, %mul3A_184 : i32
      %dma_wait3A_186 = tpu.memref_slice %arg4[%add3A_185] : memref<320000xi32, #tpu.memory_space<hbm>> -> memref<128xi32, #tpu.memory_space<hbm>>
      %dma_wait3A_187 = tpu.memref_slice %arg4[%add3A_185] : memref<320000xi32, #tpu.memory_space<hbm>> -> memref<128xi32, #tpu.memory_space<hbm>>
      tpu.wait_dma2 semaphore(%arg21 : memref<!tpu.dma_semaphore, #tpu.memory_space<semaphore_mem>>) src(%dma_wait3A_187 : memref<128xi32, #tpu.memory_space<hbm>>) dst(%arg9 : memref<128xi32, #tpu.memory_space<vmem>>)
      %dma_start3A_188 = arith.constant 0 : i32
      %dma_start3A_189 = tpu.memref_slice %arg18[%dma_start3A_188] : memref<10112xf32, #tpu.memory_space<vmem_shared>> -> memref<10112xf32, #tpu.memory_space<vmem_shared>>
      tpu.enqueue_indirect_dma source(%arg15 : memref<128xf32, #tpu.memory_space<vmem>>) target(%dma_start3A_189 : memref<10112xf32, #tpu.memory_space<vmem_shared>>) offsets(%arg9 : memref<128xi32, #tpu.memory_space<vmem>>) semaphore(%arg23 : memref<!tpu.dma_semaphore, #tpu.memory_space<semaphore_mem>>) {add = true}
      "tpu.region"() ({
        %run_scoped3A = tpu.sem_alloc : memref<!tpu.dma_semaphore, #tpu.memory_space<semaphore_mem>>
        %dma_start3A_209 = arith.constant 0 : i32
        %dma_start3A_210 = arith.constant 0 : i32
        %dma_start3A_211 = tpu.memref_slice %arg17[%dma_start3A_209, %dma_start3A_210] : memref<10112x128xf32, #tpu.memory_space<vmem_shared>> -> memref<10112x128xf32, #tpu.memory_space<vmem_shared>>
        tpu.enqueue_indirect_dma source(%arg12 : memref<128x128xf32, #tpu.memory_space<vmem>>) target(%dma_start3A_211 : memref<10112x128xf32, #tpu.memory_space<vmem_shared>>) offsets(%arg9 : memref<128xi32, #tpu.memory_space<vmem>>) semaphore(%run_scoped3A : memref<!tpu.dma_semaphore, #tpu.memory_space<semaphore_mem>>) {add = true}
        %dma_wait3A_212 = arith.constant 0 : i32
        %dma_wait3A_213 = arith.constant 0 : i32
        %dma_wait3A_214 = tpu.memref_slice %arg17[%dma_wait3A_212, %dma_wait3A_213] : memref<10112x128xf32, #tpu.memory_space<vmem_shared>> -> memref<10112x128xf32, #tpu.memory_space<vmem_shared>>
        tpu.wait_indirect_dma semaphore(%run_scoped3A : memref<!tpu.dma_semaphore, #tpu.memory_space<semaphore_mem>>) src(%arg12 : memref<128x128xf32, #tpu.memory_space<vmem>>) dst(%dma_wait3A_214 : memref<10112x128xf32, #tpu.memory_space<vmem_shared>>)
        tpu.yield
      }) : () -> ()
      %dma_wait3A_190 = arith.constant 0 : i32
      %dma_wait3A_191 = tpu.memref_slice %arg18[%dma_wait3A_190] : memref<10112xf32, #tpu.memory_space<vmem_shared>> -> memref<10112xf32, #tpu.memory_space<vmem_shared>>
      tpu.wait_indirect_dma semaphore(%arg23 : memref<!tpu.dma_semaphore, #tpu.memory_space<semaphore_mem>>) src(%arg15 : memref<128xf32, #tpu.memory_space<vmem>>) dst(%dma_wait3A_191 : memref<10112xf32, #tpu.memory_space<vmem_shared>>)
      %lt3A = arith.constant 38 : i32
      %lt3A_192 = arith.cmpi slt, %scan3A_161, %lt3A : i32
      %convert_element_type3A = arith.extui %lt3A_192 : i1 to i32
      %cond3A = arith.constant 0 : i32
      %cond3A_193 = arith.cmpi ne, %convert_element_type3A, %cond3A : i32
      scf.if %cond3A_193 {
        %add3A_209 = arith.constant 2 : i32
        %add3A_210 = arith.addi %mul3A_163, %add3A_209 : i32
        %mul3A_211 = arith.constant 128 : i32
        %mul3A_212 = arith.muli %add3A_210, %mul3A_211 : i32
        %add3A_213 = arith.addi %mul3A_2, %mul3A_212 : i32
        %dma_start3A_214 = tpu.memref_slice %arg4[%add3A_213] : memref<320000xi32, #tpu.memory_space<hbm>> -> memref<128xi32, #tpu.memory_space<hbm>>
        %dma_start3A_215 = tpu.memref_slice %arg4[%add3A_213] : memref<320000xi32, #tpu.memory_space<hbm>> -> memref<128xi32, #tpu.memory_space<hbm>>
        tpu.enqueue_dma source(%dma_start3A_215 : memref<128xi32, #tpu.memory_space<hbm>>) target(%arg9 : memref<128xi32, #tpu.memory_space<vmem>>) target_semaphore(%arg21 : memref<!tpu.dma_semaphore, #tpu.memory_space<semaphore_mem>>)
        %add3A_216 = arith.constant 2 : i32
        %add3A_217 = arith.addi %mul3A_163, %add3A_216 : i32
        %mul3A_218 = arith.constant 128 : i32
        %mul3A_219 = arith.muli %add3A_217, %mul3A_218 : i32
        %dma_start3A_220 = tpu.memref_slice %arg8[%mul3A_219] : memref<10000xi32, #tpu.memory_space<vmem>> -> memref<128xi32, #tpu.memory_space<vmem>>
        %dma_start3A_221 = arith.constant 0 : i32
        %dma_start3A_222 = arith.constant 0 : i32
        %dma_start3A_223 = tpu.memref_slice %arg2[%dma_start3A_221, %dma_start3A_222] : memref<10000x128xf32, #tpu.memory_space<hbm>> -> memref<10000x128xf32, #tpu.memory_space<hbm>>
        tpu.enqueue_indirect_dma source(%dma_start3A_223 : memref<10000x128xf32, #tpu.memory_space<hbm>>) target(%arg12 : memref<128x128xf32, #tpu.memory_space<vmem>>) offsets(%dma_start3A_220 : memref<128xi32, #tpu.memory_space<vmem>>) semaphore(%arg19 : memref<!tpu.dma_semaphore, #tpu.memory_space<semaphore_mem>>)
      } else {
      }
      %mul3A_194 = arith.constant 128 : i32
      %mul3A_195 = arith.muli %add3A_165, %mul3A_194 : i32
      %dma_wait3A_196 = tpu.memref_slice %arg8[%mul3A_195] : memref<10000xi32, #tpu.memory_space<vmem>> -> memref<128xi32, #tpu.memory_space<vmem>>
      %dma_wait3A_197 = arith.constant 0 : i32
      %dma_wait3A_198 = arith.constant 0 : i32
      %dma_wait3A_199 = tpu.memref_slice %arg2[%dma_wait3A_197, %dma_wait3A_198] : memref<10000x128xf32, #tpu.memory_space<hbm>> -> memref<10000x128xf32, #tpu.memory_space<hbm>>
      tpu.wait_indirect_dma semaphore(%arg20 : memref<!tpu.dma_semaphore, #tpu.memory_space<semaphore_mem>>) src(%dma_wait3A_199 : memref<10000x128xf32, #tpu.memory_space<hbm>>) dst(%arg13 : memref<128x128xf32, #tpu.memory_space<vmem>>)
      %mul3A_200 = arith.constant 128 : i32
      %mul3A_201 = arith.muli %add3A_165, %mul3A_200 : i32
      %add3A_202 = arith.addi %mul3A_2, %mul3A_201 : i32
      %dma_wait3A_203 = tpu.memref_slice %arg4[%add3A_202] : memref<320000xi32, #tpu.memory_space<hbm>> -> memref<128xi32, #tpu.memory_space<hbm>>
      %dma_wait3A_204 = tpu.memref_slice %arg4[%add3A_202] : memref<320000xi32, #tpu.memory_space<hbm>> -> memref<128xi32, #tpu.memory_space<hbm>>
      tpu.wait_dma2 semaphore(%arg22 : memref<!tpu.dma_semaphore, #tpu.memory_space<semaphore_mem>>) src(%dma_wait3A_204 : memref<128xi32, #tpu.memory_space<hbm>>) dst(%arg10 : memref<128xi32, #tpu.memory_space<vmem>>)
      %dma_start3A_205 = arith.constant 0 : i32
      %dma_start3A_206 = tpu.memref_slice %arg18[%dma_start3A_205] : memref<10112xf32, #tpu.memory_space<vmem_shared>> -> memref<10112xf32, #tpu.memory_space<vmem_shared>>
      tpu.enqueue_indirect_dma source(%arg15 : memref<128xf32, #tpu.memory_space<vmem>>) target(%dma_start3A_206 : memref<10112xf32, #tpu.memory_space<vmem_shared>>) offsets(%arg10 : memref<128xi32, #tpu.memory_space<vmem>>) semaphore(%arg24 : memref<!tpu.dma_semaphore, #tpu.memory_space<semaphore_mem>>) {add = true}
      "tpu.region"() ({
        %run_scoped3A = tpu.sem_alloc : memref<!tpu.dma_semaphore, #tpu.memory_space<semaphore_mem>>
        %dma_start3A_209 = arith.constant 0 : i32
        %dma_start3A_210 = arith.constant 0 : i32
        %dma_start3A_211 = tpu.memref_slice %arg17[%dma_start3A_209, %dma_start3A_210] : memref<10112x128xf32, #tpu.memory_space<vmem_shared>> -> memref<10112x128xf32, #tpu.memory_space<vmem_shared>>
        tpu.enqueue_indirect_dma source(%arg13 : memref<128x128xf32, #tpu.memory_space<vmem>>) target(%dma_start3A_211 : memref<10112x128xf32, #tpu.memory_space<vmem_shared>>) offsets(%arg10 : memref<128xi32, #tpu.memory_space<vmem>>) semaphore(%run_scoped3A : memref<!tpu.dma_semaphore, #tpu.memory_space<semaphore_mem>>) {add = true}
        %dma_wait3A_212 = arith.constant 0 : i32
        %dma_wait3A_213 = arith.constant 0 : i32
        %dma_wait3A_214 = tpu.memref_slice %arg17[%dma_wait3A_212, %dma_wait3A_213] : memref<10112x128xf32, #tpu.memory_space<vmem_shared>> -> memref<10112x128xf32, #tpu.memory_space<vmem_shared>>
        tpu.wait_indirect_dma semaphore(%run_scoped3A : memref<!tpu.dma_semaphore, #tpu.memory_space<semaphore_mem>>) src(%arg13 : memref<128x128xf32, #tpu.memory_space<vmem>>) dst(%dma_wait3A_214 : memref<10112x128xf32, #tpu.memory_space<vmem_shared>>)
        tpu.yield
      }) : () -> ()
      %dma_wait3A_207 = arith.constant 0 : i32
      %dma_wait3A_208 = tpu.memref_slice %arg18[%dma_wait3A_207] : memref<10112xf32, #tpu.memory_space<vmem_shared>> -> memref<10112xf32, #tpu.memory_space<vmem_shared>>
      tpu.wait_indirect_dma semaphore(%arg24 : memref<!tpu.dma_semaphore, #tpu.memory_space<semaphore_mem>>) src(%arg15 : memref<128xf32, #tpu.memory_space<vmem>>) dst(%dma_wait3A_208 : memref<10112xf32, #tpu.memory_space<vmem_shared>>)
    }
    %scan3A_131 = arith.constant 39 : i32
    %dma_wait3A_132 = tpu.memref_slice %arg4[%add3A_115] : memref<320000xi32, #tpu.memory_space<hbm>> -> memref<16xi32, #tpu.memory_space<hbm>>
    %dma_wait3A_133 = tpu.memref_slice %arg4[%add3A_115] : memref<320000xi32, #tpu.memory_space<hbm>> -> memref<16xi32, #tpu.memory_space<hbm>>
    tpu.wait_dma2 semaphore(%arg25 : memref<!tpu.dma_semaphore, #tpu.memory_space<semaphore_mem>>) src(%dma_wait3A_133 : memref<16xi32, #tpu.memory_space<hbm>>) dst(%arg11 : memref<16xi32, #tpu.memory_space<vmem>>)
    %dma_wait3A_134 = arith.constant 9984 : i32
    %dma_wait3A_135 = tpu.memref_slice %arg8[%dma_wait3A_134] : memref<10000xi32, #tpu.memory_space<vmem>> -> memref<16xi32, #tpu.memory_space<vmem>>
    %dma_wait3A_136 = arith.constant 0 : i32
    %dma_wait3A_137 = arith.constant 0 : i32
    %dma_wait3A_138 = tpu.memref_slice %arg2[%dma_wait3A_136, %dma_wait3A_137] : memref<10000x128xf32, #tpu.memory_space<hbm>> -> memref<10000x128xf32, #tpu.memory_space<hbm>>
    tpu.wait_indirect_dma semaphore(%arg25 : memref<!tpu.dma_semaphore, #tpu.memory_space<semaphore_mem>>) src(%dma_wait3A_138 : memref<10000x128xf32, #tpu.memory_space<hbm>>) dst(%arg14 : memref<16x128xf32, #tpu.memory_space<vmem>>)
    %dma_start3A_139 = arith.constant 0 : i32
    %dma_start3A_140 = tpu.memref_slice %arg15[%dma_start3A_139] : memref<128xf32, #tpu.memory_space<vmem>> -> memref<16xf32, #tpu.memory_space<vmem>>
    %dma_start3A_141 = arith.constant 0 : i32
    %dma_start3A_142 = tpu.memref_slice %arg18[%dma_start3A_141] : memref<10112xf32, #tpu.memory_space<vmem_shared>> -> memref<10112xf32, #tpu.memory_space<vmem_shared>>
    tpu.enqueue_indirect_dma source(%dma_start3A_140 : memref<16xf32, #tpu.memory_space<vmem>>) target(%dma_start3A_142 : memref<10112xf32, #tpu.memory_space<vmem_shared>>) offsets(%arg11 : memref<16xi32, #tpu.memory_space<vmem>>) semaphore(%arg23 : memref<!tpu.dma_semaphore, #tpu.memory_space<semaphore_mem>>) {add = true}
    "tpu.region"() ({
      %run_scoped3A = tpu.sem_alloc : memref<!tpu.dma_semaphore, #tpu.memory_space<semaphore_mem>>
      %dma_start3A_161 = arith.constant 0 : i32
      %dma_start3A_162 = arith.constant 0 : i32
      %dma_start3A_163 = tpu.memref_slice %arg17[%dma_start3A_161, %dma_start3A_162] : memref<10112x128xf32, #tpu.memory_space<vmem_shared>> -> memref<10112x128xf32, #tpu.memory_space<vmem_shared>>
      tpu.enqueue_indirect_dma source(%arg14 : memref<16x128xf32, #tpu.memory_space<vmem>>) target(%dma_start3A_163 : memref<10112x128xf32, #tpu.memory_space<vmem_shared>>) offsets(%arg11 : memref<16xi32, #tpu.memory_space<vmem>>) semaphore(%run_scoped3A : memref<!tpu.dma_semaphore, #tpu.memory_space<semaphore_mem>>) {add = true}
      %dma_wait3A_164 = arith.constant 0 : i32
      %dma_wait3A_165 = arith.constant 0 : i32
      %dma_wait3A_166 = tpu.memref_slice %arg17[%dma_wait3A_164, %dma_wait3A_165] : memref<10112x128xf32, #tpu.memory_space<vmem_shared>> -> memref<10112x128xf32, #tpu.memory_space<vmem_shared>>
      tpu.wait_indirect_dma semaphore(%run_scoped3A : memref<!tpu.dma_semaphore, #tpu.memory_space<semaphore_mem>>) src(%arg14 : memref<16x128xf32, #tpu.memory_space<vmem>>) dst(%dma_wait3A_166 : memref<10112x128xf32, #tpu.memory_space<vmem_shared>>)
      tpu.yield
    }) : () -> ()
    %dma_wait3A_143 = arith.constant 0 : i32
    %dma_wait3A_144 = tpu.memref_slice %arg15[%dma_wait3A_143] : memref<128xf32, #tpu.memory_space<vmem>> -> memref<16xf32, #tpu.memory_space<vmem>>
    %dma_wait3A_145 = arith.constant 0 : i32
    %dma_wait3A_146 = tpu.memref_slice %arg18[%dma_wait3A_145] : memref<10112xf32, #tpu.memory_space<vmem_shared>> -> memref<10112xf32, #tpu.memory_space<vmem_shared>>
    tpu.wait_indirect_dma semaphore(%arg23 : memref<!tpu.dma_semaphore, #tpu.memory_space<semaphore_mem>>) src(%dma_wait3A_144 : memref<16xf32, #tpu.memory_space<vmem>>) dst(%dma_wait3A_146 : memref<10112xf32, #tpu.memory_space<vmem_shared>>)
    %barrier3A_147 = arith.constant 0 : index
    tpu.barrier barrier_id(%barrier3A_147)
    %mul3A_148 = arith.constant 632 : i32
    %mul3A_149 = arith.muli %arg1, %mul3A_148 : i32
    %mul3A_150 = arith.constant 10112 : i32
    %mul3A_151 = arith.muli %arg0, %mul3A_150 : i32
    %mul3A_152 = arith.constant 632 : i32
    %mul3A_153 = arith.muli %arg1, %mul3A_152 : i32
    %add3A_154 = arith.addi %mul3A_151, %mul3A_153 : i32
    "tpu.region"() ({
      %run_scoped3A = tpu.sem_alloc : memref<!tpu.dma_semaphore, #tpu.memory_space<semaphore_mem>>
      %dma_start3A_161 = arith.constant 0 : i32
      %dma_start3A_162 = tpu.memref_slice %arg6[%add3A_154, %dma_start3A_161] : memref<20224x128xf32, #tpu.memory_space<hbm>> -> memref<632x128xf32, #tpu.memory_space<hbm>>
      %dma_start3A_163 = arith.constant 0 : i32
      %dma_start3A_164 = tpu.memref_slice %arg17[%mul3A_149, %dma_start3A_163] : memref<10112x128xf32, #tpu.memory_space<vmem_shared>> -> memref<632x128xf32, #tpu.memory_space<vmem_shared>>
      tpu.enqueue_dma source(%dma_start3A_164 : memref<632x128xf32, #tpu.memory_space<vmem_shared>>) target(%dma_start3A_162 : memref<632x128xf32, #tpu.memory_space<hbm>>) target_semaphore(%run_scoped3A : memref<!tpu.dma_semaphore, #tpu.memory_space<semaphore_mem>>)
      %dma_wait3A_165 = arith.constant 0 : i32
      %dma_wait3A_166 = tpu.memref_slice %arg6[%add3A_154, %dma_wait3A_165] : memref<20224x128xf32, #tpu.memory_space<hbm>> -> memref<632x128xf32, #tpu.memory_space<hbm>>
      %dma_wait3A_167 = arith.constant 0 : i32
      %dma_wait3A_168 = tpu.memref_slice %arg17[%mul3A_149, %dma_wait3A_167] : memref<10112x128xf32, #tpu.memory_space<vmem_shared>> -> memref<632x128xf32, #tpu.memory_space<vmem_shared>>
      tpu.wait_dma2 semaphore(%run_scoped3A : memref<!tpu.dma_semaphore, #tpu.memory_space<semaphore_mem>>) src(%dma_wait3A_168 : memref<632x128xf32, #tpu.memory_space<vmem_shared>>) dst(%dma_wait3A_166 : memref<632x128xf32, #tpu.memory_space<hbm>>)
      tpu.yield
    }) : () -> ()
    %scan3A_155 = arith.constant 0 : i32
    %scan3A_156 = arith.constant 0 : i32
    %scan3A_157 = arith.constant 5 : i32
    %scan3A_158 = arith.addi %scan3A_156, %scan3A_157 : i32
    %scan3A_159 = arith.constant 1 : i32
    scf.for %scan3A_161 = %scan3A_156 to %scan3A_158 step %scan3A_159  : i32 {
      %mul3A_162 = arith.constant 5 : i32
      %mul3A_163 = arith.muli %arg1, %mul3A_162 : i32
      %add3A_164 = arith.addi %mul3A_163, %scan3A_161 : i32
      %lt3A = arith.constant 79 : i32
      %lt3A_165 = arith.cmpi slt, %add3A_164, %lt3A : i32
      %convert_element_type3A = arith.extui %lt3A_165 : i1 to i32
      %cond3A = arith.constant 0 : i32
      %cond3A_166 = arith.cmpi ne, %convert_element_type3A, %cond3A : i32
      scf.if %cond3A_166 {
        %mul3A_167 = arith.constant 128 : i32
        %mul3A_168 = arith.muli %add3A_164, %mul3A_167 : i32
        "tpu.region"() ({
          %run_scoped3A = tpu.sem_alloc : memref<!tpu.dma_semaphore, #tpu.memory_space<semaphore_mem>>
          %dma_start3A_174 = tpu.memref_slice %arg18[%mul3A_168] : memref<10112xf32, #tpu.memory_space<vmem_shared>> -> memref<128xf32, #tpu.memory_space<vmem_shared>>
          %dma_start3A_175 = tpu.memref_slice %arg18[%mul3A_168] : memref<10112xf32, #tpu.memory_space<vmem_shared>> -> memref<128xf32, #tpu.memory_space<vmem_shared>>
          tpu.enqueue_dma source(%dma_start3A_175 : memref<128xf32, #tpu.memory_space<vmem_shared>>) target(%arg16 : memref<128xf32, #tpu.memory_space<vmem>>) target_semaphore(%run_scoped3A : memref<!tpu.dma_semaphore, #tpu.memory_space<semaphore_mem>>)
          %dma_wait3A_176 = tpu.memref_slice %arg18[%mul3A_168] : memref<10112xf32, #tpu.memory_space<vmem_shared>> -> memref<128xf32, #tpu.memory_space<vmem_shared>>
          %dma_wait3A_177 = tpu.memref_slice %arg18[%mul3A_168] : memref<10112xf32, #tpu.memory_space<vmem_shared>> -> memref<128xf32, #tpu.memory_space<vmem_shared>>
          tpu.wait_dma2 semaphore(%run_scoped3A : memref<!tpu.dma_semaphore, #tpu.memory_space<semaphore_mem>>) src(%dma_wait3A_177 : memref<128xf32, #tpu.memory_space<vmem_shared>>) dst(%arg16 : memref<128xf32, #tpu.memory_space<vmem>>)
          tpu.yield
        }) : () -> ()
        %mul3A_169 = arith.constant 10112 : i32
        %mul3A_170 = arith.muli %arg0, %mul3A_169 : i32
        %mul3A_171 = arith.constant 128 : i32
        %mul3A_172 = arith.muli %add3A_164, %mul3A_171 : i32
        %add3A_173 = arith.addi %mul3A_170, %mul3A_172 : i32
        "tpu.region"() ({
          %run_scoped3A = tpu.sem_alloc : memref<!tpu.dma_semaphore, #tpu.memory_space<semaphore_mem>>
          %dma_start3A_174 = tpu.memref_slice %arg7[%add3A_173] : memref<20224xf32, #tpu.memory_space<hbm>> -> memref<128xf32, #tpu.memory_space<hbm>>
          %dma_start3A_175 = tpu.memref_slice %arg7[%add3A_173] : memref<20224xf32, #tpu.memory_space<hbm>> -> memref<128xf32, #tpu.memory_space<hbm>>
          tpu.enqueue_dma source(%arg16 : memref<128xf32, #tpu.memory_space<vmem>>) target(%dma_start3A_175 : memref<128xf32, #tpu.memory_space<hbm>>) target_semaphore(%run_scoped3A : memref<!tpu.dma_semaphore, #tpu.memory_space<semaphore_mem>>)
          %dma_wait3A_176 = tpu.memref_slice %arg7[%add3A_173] : memref<20224xf32, #tpu.memory_space<hbm>> -> memref<128xf32, #tpu.memory_space<hbm>>
          %dma_wait3A_177 = tpu.memref_slice %arg7[%add3A_173] : memref<20224xf32, #tpu.memory_space<hbm>> -> memref<128xf32, #tpu.memory_space<hbm>>
          tpu.wait_dma2 semaphore(%run_scoped3A : memref<!tpu.dma_semaphore, #tpu.memory_space<semaphore_mem>>) src(%arg16 : memref<128xf32, #tpu.memory_space<vmem>>) dst(%dma_wait3A_177 : memref<128xf32, #tpu.memory_space<hbm>>)
          tpu.yield
        }) : () -> ()
      } else {
      }
    }
    %scan3A_160 = arith.constant 5 : i32
    return
  }
}

#map = affine_map<(d0, d1) -> (0, 0)>
#map1 = affine_map<(d0, d1) -> (0)>
module attributes {stable_mosaic.version = 14 : i64} {
  func.func @_agg_only_body(%arg0: i32, %arg1: i32, %arg2: memref<10000x128xf32, #tpu.memory_space<hbm>>, %arg3: memref<320000xi32, #tpu.memory_space<hbm>>, %arg4: memref<320000xi32, #tpu.memory_space<hbm>>, %arg5: memref<632x128xf32, #tpu.memory_space<hbm>>, %arg6: memref<20224x128xf32, #tpu.memory_space<hbm>>, %arg7: memref<10000xi32, #tpu.memory_space<vmem>>, %arg8: memref<128xi32, #tpu.memory_space<vmem>>, %arg9: memref<128xi32, #tpu.memory_space<vmem>>, %arg10: memref<16xi32, #tpu.memory_space<vmem>>, %arg11: memref<128x128xf32, #tpu.memory_space<vmem>>, %arg12: memref<128x128xf32, #tpu.memory_space<vmem>>, %arg13: memref<16x128xf32, #tpu.memory_space<vmem>>, %arg14: memref<128xf32, #tpu.memory_space<vmem>>, %arg15: memref<128xf32, #tpu.memory_space<vmem>>, %arg16: memref<10112x128xf32, #tpu.memory_space<vmem_shared>>, %arg17: memref<10112xf32, #tpu.memory_space<vmem_shared>>, %arg18: memref<!tpu.dma_semaphore, #tpu.memory_space<semaphore_mem>>, %arg19: memref<!tpu.dma_semaphore, #tpu.memory_space<semaphore_mem>>, %arg20: memref<!tpu.dma_semaphore, #tpu.memory_space<semaphore_mem>>, %arg21: memref<!tpu.dma_semaphore, #tpu.memory_space<semaphore_mem>>, %arg22: memref<!tpu.dma_semaphore, #tpu.memory_space<semaphore_mem>>, %arg23: memref<!tpu.dma_semaphore, #tpu.memory_space<semaphore_mem>>, %arg24: memref<!tpu.dma_semaphore, #tpu.memory_space<semaphore_mem>>) attributes {dimension_semantics = [#tpu.dimension_semantics<core_parallel>, #tpu.dimension_semantics<subcore_parallel>], iteration_bounds = array<i64: 2, 16>, scalar_prefetch = 0 : i64, scratch_operands = 18 : i64, tpu.core_type = #tpu.core_type<sc_vector_subcore>, window_params = [{transform_indices = #map}, {transform_indices = #map1}, {transform_indices = #map1}, {transform_indices = #map}, {transform_indices = #map}]} {
    %mul3A = arith.constant 2 : i32
    %mul3A_0 = arith.muli %arg1, %mul3A : i32
    %add3A = arith.addi %mul3A_0, %arg0 : i32
    %mul3A_1 = arith.constant 10000 : i32
    %mul3A_2 = arith.muli %add3A, %mul3A_1 : i32
    %mul3A_3 = arith.constant 632 : i32
    %mul3A_4 = arith.muli %arg1, %mul3A_3 : i32
    %dma_start3A = arith.constant 0 : i32
    %dma_start3A_5 = tpu.memref_slice %arg16[%mul3A_4, %dma_start3A] : memref<10112x128xf32, #tpu.memory_space<vmem_shared>> -> memref<632x128xf32, #tpu.memory_space<vmem_shared>>
    tpu.enqueue_dma source(%arg5 : memref<632x128xf32, #tpu.memory_space<hbm>>) target(%dma_start3A_5 : memref<632x128xf32, #tpu.memory_space<vmem_shared>>) target_semaphore(%arg23 : memref<!tpu.dma_semaphore, #tpu.memory_space<semaphore_mem>>)
    "tpu.region"() ({
      %run_scoped3A = tpu.sem_alloc : memref<!tpu.dma_semaphore, #tpu.memory_space<semaphore_mem>>
      %dma_start3A_47 = tpu.memref_slice %arg3[%mul3A_2] : memref<320000xi32, #tpu.memory_space<hbm>> -> memref<10000xi32, #tpu.memory_space<hbm>>
      %dma_start3A_48 = tpu.memref_slice %arg3[%mul3A_2] : memref<320000xi32, #tpu.memory_space<hbm>> -> memref<10000xi32, #tpu.memory_space<hbm>>
      tpu.enqueue_dma source(%dma_start3A_48 : memref<10000xi32, #tpu.memory_space<hbm>>) target(%arg7 : memref<10000xi32, #tpu.memory_space<vmem>>) target_semaphore(%run_scoped3A : memref<!tpu.dma_semaphore, #tpu.memory_space<semaphore_mem>>)
      %dma_wait3A_49 = tpu.memref_slice %arg3[%mul3A_2] : memref<320000xi32, #tpu.memory_space<hbm>> -> memref<10000xi32, #tpu.memory_space<hbm>>
      %dma_wait3A_50 = tpu.memref_slice %arg3[%mul3A_2] : memref<320000xi32, #tpu.memory_space<hbm>> -> memref<10000xi32, #tpu.memory_space<hbm>>
      tpu.wait_dma2 semaphore(%run_scoped3A : memref<!tpu.dma_semaphore, #tpu.memory_space<semaphore_mem>>) src(%dma_wait3A_50 : memref<10000xi32, #tpu.memory_space<hbm>>) dst(%arg7 : memref<10000xi32, #tpu.memory_space<vmem>>)
      tpu.yield
    }) : () -> ()
    %add3A_6 = arith.constant 0 : i32
    %add3A_7 = arith.addi %mul3A_2, %add3A_6 : i32
    %dma_start3A_8 = tpu.memref_slice %arg4[%add3A_7] : memref<320000xi32, #tpu.memory_space<hbm>> -> memref<128xi32, #tpu.memory_space<hbm>>
    %dma_start3A_9 = tpu.memref_slice %arg4[%add3A_7] : memref<320000xi32, #tpu.memory_space<hbm>> -> memref<128xi32, #tpu.memory_space<hbm>>
    tpu.enqueue_dma source(%dma_start3A_9 : memref<128xi32, #tpu.memory_space<hbm>>) target(%arg8 : memref<128xi32, #tpu.memory_space<vmem>>) target_semaphore(%arg20 : memref<!tpu.dma_semaphore, #tpu.memory_space<semaphore_mem>>)
    %dma_start3A_10 = arith.constant 0 : i32
    %dma_start3A_11 = tpu.memref_slice %arg7[%dma_start3A_10] : memref<10000xi32, #tpu.memory_space<vmem>> -> memref<128xi32, #tpu.memory_space<vmem>>
    %dma_start3A_12 = arith.constant 0 : i32
    %dma_start3A_13 = arith.constant 0 : i32
    %dma_start3A_14 = tpu.memref_slice %arg2[%dma_start3A_12, %dma_start3A_13] : memref<10000x128xf32, #tpu.memory_space<hbm>> -> memref<10000x128xf32, #tpu.memory_space<hbm>>
    tpu.enqueue_indirect_dma source(%dma_start3A_14 : memref<10000x128xf32, #tpu.memory_space<hbm>>) target(%arg11 : memref<128x128xf32, #tpu.memory_space<vmem>>) offsets(%dma_start3A_11 : memref<128xi32, #tpu.memory_space<vmem>>) semaphore(%arg18 : memref<!tpu.dma_semaphore, #tpu.memory_space<semaphore_mem>>)
    %add3A_15 = arith.constant 9984 : i32
    %add3A_16 = arith.addi %mul3A_2, %add3A_15 : i32
    %dma_start3A_17 = tpu.memref_slice %arg4[%add3A_16] : memref<320000xi32, #tpu.memory_space<hbm>> -> memref<16xi32, #tpu.memory_space<hbm>>
    %dma_start3A_18 = tpu.memref_slice %arg4[%add3A_16] : memref<320000xi32, #tpu.memory_space<hbm>> -> memref<16xi32, #tpu.memory_space<hbm>>
    tpu.enqueue_dma source(%dma_start3A_18 : memref<16xi32, #tpu.memory_space<hbm>>) target(%arg10 : memref<16xi32, #tpu.memory_space<vmem>>) target_semaphore(%arg24 : memref<!tpu.dma_semaphore, #tpu.memory_space<semaphore_mem>>)
    %dma_start3A_19 = arith.constant 9984 : i32
    %dma_start3A_20 = tpu.memref_slice %arg7[%dma_start3A_19] : memref<10000xi32, #tpu.memory_space<vmem>> -> memref<16xi32, #tpu.memory_space<vmem>>
    %dma_start3A_21 = arith.constant 0 : i32
    %dma_start3A_22 = arith.constant 0 : i32
    %dma_start3A_23 = tpu.memref_slice %arg2[%dma_start3A_21, %dma_start3A_22] : memref<10000x128xf32, #tpu.memory_space<hbm>> -> memref<10000x128xf32, #tpu.memory_space<hbm>>
    tpu.enqueue_indirect_dma source(%dma_start3A_23 : memref<10000x128xf32, #tpu.memory_space<hbm>>) target(%arg13 : memref<16x128xf32, #tpu.memory_space<vmem>>) offsets(%dma_start3A_20 : memref<16xi32, #tpu.memory_space<vmem>>) semaphore(%arg24 : memref<!tpu.dma_semaphore, #tpu.memory_space<semaphore_mem>>)
    %mul3A_24 = arith.constant 632 : i32
    %mul3A_25 = arith.muli %arg1, %mul3A_24 : i32
    %dma_wait3A = arith.constant 0 : i32
    %dma_wait3A_26 = tpu.memref_slice %arg16[%mul3A_25, %dma_wait3A] : memref<10112x128xf32, #tpu.memory_space<vmem_shared>> -> memref<632x128xf32, #tpu.memory_space<vmem_shared>>
    tpu.wait_dma2 semaphore(%arg23 : memref<!tpu.dma_semaphore, #tpu.memory_space<semaphore_mem>>) src(%arg5 : memref<632x128xf32, #tpu.memory_space<hbm>>) dst(%dma_wait3A_26 : memref<632x128xf32, #tpu.memory_space<vmem_shared>>)
    %barrier3A = arith.constant 0 : index
    tpu.barrier barrier_id(%barrier3A)
    %scan3A = arith.constant 0 : i32
    %scan3A_27 = arith.constant 0 : i32
    %scan3A_28 = arith.constant 39 : i32
    %scan3A_29 = arith.addi %scan3A_27, %scan3A_28 : i32
    %scan3A_30 = arith.constant 1 : i32
    scf.for %scan3A_47 = %scan3A_27 to %scan3A_29 step %scan3A_30  : i32 {
      %mul3A_48 = arith.constant 2 : i32
      %mul3A_49 = arith.muli %mul3A_48, %scan3A_47 : i32
      %add3A_50 = arith.constant 1 : i32
      %add3A_51 = arith.addi %mul3A_49, %add3A_50 : i32
      %mul3A_52 = arith.constant 128 : i32
      %mul3A_53 = arith.muli %add3A_51, %mul3A_52 : i32
      %add3A_54 = arith.addi %mul3A_2, %mul3A_53 : i32
      %dma_start3A_55 = tpu.memref_slice %arg4[%add3A_54] : memref<320000xi32, #tpu.memory_space<hbm>> -> memref<128xi32, #tpu.memory_space<hbm>>
      %dma_start3A_56 = tpu.memref_slice %arg4[%add3A_54] : memref<320000xi32, #tpu.memory_space<hbm>> -> memref<128xi32, #tpu.memory_space<hbm>>
      tpu.enqueue_dma source(%dma_start3A_56 : memref<128xi32, #tpu.memory_space<hbm>>) target(%arg9 : memref<128xi32, #tpu.memory_space<vmem>>) target_semaphore(%arg21 : memref<!tpu.dma_semaphore, #tpu.memory_space<semaphore_mem>>)
      %mul3A_57 = arith.constant 128 : i32
      %mul3A_58 = arith.muli %add3A_51, %mul3A_57 : i32
      %dma_start3A_59 = tpu.memref_slice %arg7[%mul3A_58] : memref<10000xi32, #tpu.memory_space<vmem>> -> memref<128xi32, #tpu.memory_space<vmem>>
      %dma_start3A_60 = arith.constant 0 : i32
      %dma_start3A_61 = arith.constant 0 : i32
      %dma_start3A_62 = tpu.memref_slice %arg2[%dma_start3A_60, %dma_start3A_61] : memref<10000x128xf32, #tpu.memory_space<hbm>> -> memref<10000x128xf32, #tpu.memory_space<hbm>>
      tpu.enqueue_indirect_dma source(%dma_start3A_62 : memref<10000x128xf32, #tpu.memory_space<hbm>>) target(%arg12 : memref<128x128xf32, #tpu.memory_space<vmem>>) offsets(%dma_start3A_59 : memref<128xi32, #tpu.memory_space<vmem>>) semaphore(%arg19 : memref<!tpu.dma_semaphore, #tpu.memory_space<semaphore_mem>>)
      %mul3A_63 = arith.constant 128 : i32
      %mul3A_64 = arith.muli %mul3A_49, %mul3A_63 : i32
      %dma_wait3A_65 = tpu.memref_slice %arg7[%mul3A_64] : memref<10000xi32, #tpu.memory_space<vmem>> -> memref<128xi32, #tpu.memory_space<vmem>>
      %dma_wait3A_66 = arith.constant 0 : i32
      %dma_wait3A_67 = arith.constant 0 : i32
      %dma_wait3A_68 = tpu.memref_slice %arg2[%dma_wait3A_66, %dma_wait3A_67] : memref<10000x128xf32, #tpu.memory_space<hbm>> -> memref<10000x128xf32, #tpu.memory_space<hbm>>
      tpu.wait_indirect_dma semaphore(%arg18 : memref<!tpu.dma_semaphore, #tpu.memory_space<semaphore_mem>>) src(%dma_wait3A_68 : memref<10000x128xf32, #tpu.memory_space<hbm>>) dst(%arg11 : memref<128x128xf32, #tpu.memory_space<vmem>>)
      %mul3A_69 = arith.constant 128 : i32
      %mul3A_70 = arith.muli %mul3A_49, %mul3A_69 : i32
      %add3A_71 = arith.addi %mul3A_2, %mul3A_70 : i32
      %dma_wait3A_72 = tpu.memref_slice %arg4[%add3A_71] : memref<320000xi32, #tpu.memory_space<hbm>> -> memref<128xi32, #tpu.memory_space<hbm>>
      %dma_wait3A_73 = tpu.memref_slice %arg4[%add3A_71] : memref<320000xi32, #tpu.memory_space<hbm>> -> memref<128xi32, #tpu.memory_space<hbm>>
      tpu.wait_dma2 semaphore(%arg20 : memref<!tpu.dma_semaphore, #tpu.memory_space<semaphore_mem>>) src(%dma_wait3A_73 : memref<128xi32, #tpu.memory_space<hbm>>) dst(%arg8 : memref<128xi32, #tpu.memory_space<vmem>>)
      "tpu.region"() ({
        %run_scoped3A = tpu.sem_alloc : memref<!tpu.dma_semaphore, #tpu.memory_space<semaphore_mem>>
        %dma_start3A_87 = arith.constant 0 : i32
        %dma_start3A_88 = arith.constant 0 : i32
        %dma_start3A_89 = tpu.memref_slice %arg16[%dma_start3A_87, %dma_start3A_88] : memref<10112x128xf32, #tpu.memory_space<vmem_shared>> -> memref<10112x128xf32, #tpu.memory_space<vmem_shared>>
        tpu.enqueue_indirect_dma source(%arg11 : memref<128x128xf32, #tpu.memory_space<vmem>>) target(%dma_start3A_89 : memref<10112x128xf32, #tpu.memory_space<vmem_shared>>) offsets(%arg8 : memref<128xi32, #tpu.memory_space<vmem>>) semaphore(%run_scoped3A : memref<!tpu.dma_semaphore, #tpu.memory_space<semaphore_mem>>) {add = true}
        %dma_wait3A_90 = arith.constant 0 : i32
        %dma_wait3A_91 = arith.constant 0 : i32
        %dma_wait3A_92 = tpu.memref_slice %arg16[%dma_wait3A_90, %dma_wait3A_91] : memref<10112x128xf32, #tpu.memory_space<vmem_shared>> -> memref<10112x128xf32, #tpu.memory_space<vmem_shared>>
        tpu.wait_indirect_dma semaphore(%run_scoped3A : memref<!tpu.dma_semaphore, #tpu.memory_space<semaphore_mem>>) src(%arg11 : memref<128x128xf32, #tpu.memory_space<vmem>>) dst(%dma_wait3A_92 : memref<10112x128xf32, #tpu.memory_space<vmem_shared>>)
        tpu.yield
      }) : () -> ()
      %lt3A = arith.constant 38 : i32
      %lt3A_74 = arith.cmpi slt, %scan3A_47, %lt3A : i32
      %convert_element_type3A = arith.extui %lt3A_74 : i1 to i32
      %cond3A = arith.constant 0 : i32
      %cond3A_75 = arith.cmpi ne, %convert_element_type3A, %cond3A : i32
      scf.if %cond3A_75 {
        %add3A_87 = arith.constant 2 : i32
        %add3A_88 = arith.addi %mul3A_49, %add3A_87 : i32
        %mul3A_89 = arith.constant 128 : i32
        %mul3A_90 = arith.muli %add3A_88, %mul3A_89 : i32
        %add3A_91 = arith.addi %mul3A_2, %mul3A_90 : i32
        %dma_start3A_92 = tpu.memref_slice %arg4[%add3A_91] : memref<320000xi32, #tpu.memory_space<hbm>> -> memref<128xi32, #tpu.memory_space<hbm>>
        %dma_start3A_93 = tpu.memref_slice %arg4[%add3A_91] : memref<320000xi32, #tpu.memory_space<hbm>> -> memref<128xi32, #tpu.memory_space<hbm>>
        tpu.enqueue_dma source(%dma_start3A_93 : memref<128xi32, #tpu.memory_space<hbm>>) target(%arg8 : memref<128xi32, #tpu.memory_space<vmem>>) target_semaphore(%arg20 : memref<!tpu.dma_semaphore, #tpu.memory_space<semaphore_mem>>)
        %add3A_94 = arith.constant 2 : i32
        %add3A_95 = arith.addi %mul3A_49, %add3A_94 : i32
        %mul3A_96 = arith.constant 128 : i32
        %mul3A_97 = arith.muli %add3A_95, %mul3A_96 : i32
        %dma_start3A_98 = tpu.memref_slice %arg7[%mul3A_97] : memref<10000xi32, #tpu.memory_space<vmem>> -> memref<128xi32, #tpu.memory_space<vmem>>
        %dma_start3A_99 = arith.constant 0 : i32
        %dma_start3A_100 = arith.constant 0 : i32
        %dma_start3A_101 = tpu.memref_slice %arg2[%dma_start3A_99, %dma_start3A_100] : memref<10000x128xf32, #tpu.memory_space<hbm>> -> memref<10000x128xf32, #tpu.memory_space<hbm>>
        tpu.enqueue_indirect_dma source(%dma_start3A_101 : memref<10000x128xf32, #tpu.memory_space<hbm>>) target(%arg11 : memref<128x128xf32, #tpu.memory_space<vmem>>) offsets(%dma_start3A_98 : memref<128xi32, #tpu.memory_space<vmem>>) semaphore(%arg18 : memref<!tpu.dma_semaphore, #tpu.memory_space<semaphore_mem>>)
      } else {
      }
      %mul3A_76 = arith.constant 128 : i32
      %mul3A_77 = arith.muli %add3A_51, %mul3A_76 : i32
      %dma_wait3A_78 = tpu.memref_slice %arg7[%mul3A_77] : memref<10000xi32, #tpu.memory_space<vmem>> -> memref<128xi32, #tpu.memory_space<vmem>>
      %dma_wait3A_79 = arith.constant 0 : i32
      %dma_wait3A_80 = arith.constant 0 : i32
      %dma_wait3A_81 = tpu.memref_slice %arg2[%dma_wait3A_79, %dma_wait3A_80] : memref<10000x128xf32, #tpu.memory_space<hbm>> -> memref<10000x128xf32, #tpu.memory_space<hbm>>
      tpu.wait_indirect_dma semaphore(%arg19 : memref<!tpu.dma_semaphore, #tpu.memory_space<semaphore_mem>>) src(%dma_wait3A_81 : memref<10000x128xf32, #tpu.memory_space<hbm>>) dst(%arg12 : memref<128x128xf32, #tpu.memory_space<vmem>>)
      %mul3A_82 = arith.constant 128 : i32
      %mul3A_83 = arith.muli %add3A_51, %mul3A_82 : i32
      %add3A_84 = arith.addi %mul3A_2, %mul3A_83 : i32
      %dma_wait3A_85 = tpu.memref_slice %arg4[%add3A_84] : memref<320000xi32, #tpu.memory_space<hbm>> -> memref<128xi32, #tpu.memory_space<hbm>>
      %dma_wait3A_86 = tpu.memref_slice %arg4[%add3A_84] : memref<320000xi32, #tpu.memory_space<hbm>> -> memref<128xi32, #tpu.memory_space<hbm>>
      tpu.wait_dma2 semaphore(%arg21 : memref<!tpu.dma_semaphore, #tpu.memory_space<semaphore_mem>>) src(%dma_wait3A_86 : memref<128xi32, #tpu.memory_space<hbm>>) dst(%arg9 : memref<128xi32, #tpu.memory_space<vmem>>)
      "tpu.region"() ({
        %run_scoped3A = tpu.sem_alloc : memref<!tpu.dma_semaphore, #tpu.memory_space<semaphore_mem>>
        %dma_start3A_87 = arith.constant 0 : i32
        %dma_start3A_88 = arith.constant 0 : i32
        %dma_start3A_89 = tpu.memref_slice %arg16[%dma_start3A_87, %dma_start3A_88] : memref<10112x128xf32, #tpu.memory_space<vmem_shared>> -> memref<10112x128xf32, #tpu.memory_space<vmem_shared>>
        tpu.enqueue_indirect_dma source(%arg12 : memref<128x128xf32, #tpu.memory_space<vmem>>) target(%dma_start3A_89 : memref<10112x128xf32, #tpu.memory_space<vmem_shared>>) offsets(%arg9 : memref<128xi32, #tpu.memory_space<vmem>>) semaphore(%run_scoped3A : memref<!tpu.dma_semaphore, #tpu.memory_space<semaphore_mem>>) {add = true}
        %dma_wait3A_90 = arith.constant 0 : i32
        %dma_wait3A_91 = arith.constant 0 : i32
        %dma_wait3A_92 = tpu.memref_slice %arg16[%dma_wait3A_90, %dma_wait3A_91] : memref<10112x128xf32, #tpu.memory_space<vmem_shared>> -> memref<10112x128xf32, #tpu.memory_space<vmem_shared>>
        tpu.wait_indirect_dma semaphore(%run_scoped3A : memref<!tpu.dma_semaphore, #tpu.memory_space<semaphore_mem>>) src(%arg12 : memref<128x128xf32, #tpu.memory_space<vmem>>) dst(%dma_wait3A_92 : memref<10112x128xf32, #tpu.memory_space<vmem_shared>>)
        tpu.yield
      }) : () -> ()
    }
    %scan3A_31 = arith.constant 39 : i32
    %dma_wait3A_32 = tpu.memref_slice %arg4[%add3A_16] : memref<320000xi32, #tpu.memory_space<hbm>> -> memref<16xi32, #tpu.memory_space<hbm>>
    %dma_wait3A_33 = tpu.memref_slice %arg4[%add3A_16] : memref<320000xi32, #tpu.memory_space<hbm>> -> memref<16xi32, #tpu.memory_space<hbm>>
    tpu.wait_dma2 semaphore(%arg24 : memref<!tpu.dma_semaphore, #tpu.memory_space<semaphore_mem>>) src(%dma_wait3A_33 : memref<16xi32, #tpu.memory_space<hbm>>) dst(%arg10 : memref<16xi32, #tpu.memory_space<vmem>>)
    %dma_wait3A_34 = arith.constant 9984 : i32
    %dma_wait3A_35 = tpu.memref_slice %arg7[%dma_wait3A_34] : memref<10000xi32, #tpu.memory_space<vmem>> -> memref<16xi32, #tpu.memory_space<vmem>>
    %dma_wait3A_36 = arith.constant 0 : i32
    %dma_wait3A_37 = arith.constant 0 : i32
    %dma_wait3A_38 = tpu.memref_slice %arg2[%dma_wait3A_36, %dma_wait3A_37] : memref<10000x128xf32, #tpu.memory_space<hbm>> -> memref<10000x128xf32, #tpu.memory_space<hbm>>
    tpu.wait_indirect_dma semaphore(%arg24 : memref<!tpu.dma_semaphore, #tpu.memory_space<semaphore_mem>>) src(%dma_wait3A_38 : memref<10000x128xf32, #tpu.memory_space<hbm>>) dst(%arg13 : memref<16x128xf32, #tpu.memory_space<vmem>>)
    "tpu.region"() ({
      %run_scoped3A = tpu.sem_alloc : memref<!tpu.dma_semaphore, #tpu.memory_space<semaphore_mem>>
      %dma_start3A_47 = arith.constant 0 : i32
      %dma_start3A_48 = arith.constant 0 : i32
      %dma_start3A_49 = tpu.memref_slice %arg16[%dma_start3A_47, %dma_start3A_48] : memref<10112x128xf32, #tpu.memory_space<vmem_shared>> -> memref<10112x128xf32, #tpu.memory_space<vmem_shared>>
      tpu.enqueue_indirect_dma source(%arg13 : memref<16x128xf32, #tpu.memory_space<vmem>>) target(%dma_start3A_49 : memref<10112x128xf32, #tpu.memory_space<vmem_shared>>) offsets(%arg10 : memref<16xi32, #tpu.memory_space<vmem>>) semaphore(%run_scoped3A : memref<!tpu.dma_semaphore, #tpu.memory_space<semaphore_mem>>) {add = true}
      %dma_wait3A_50 = arith.constant 0 : i32
      %dma_wait3A_51 = arith.constant 0 : i32
      %dma_wait3A_52 = tpu.memref_slice %arg16[%dma_wait3A_50, %dma_wait3A_51] : memref<10112x128xf32, #tpu.memory_space<vmem_shared>> -> memref<10112x128xf32, #tpu.memory_space<vmem_shared>>
      tpu.wait_indirect_dma semaphore(%run_scoped3A : memref<!tpu.dma_semaphore, #tpu.memory_space<semaphore_mem>>) src(%arg13 : memref<16x128xf32, #tpu.memory_space<vmem>>) dst(%dma_wait3A_52 : memref<10112x128xf32, #tpu.memory_space<vmem_shared>>)
      tpu.yield
    }) : () -> ()
    %barrier3A_39 = arith.constant 0 : index
    tpu.barrier barrier_id(%barrier3A_39)
    %mul3A_40 = arith.constant 632 : i32
    %mul3A_41 = arith.muli %arg1, %mul3A_40 : i32
    %mul3A_42 = arith.constant 10112 : i32
    %mul3A_43 = arith.muli %arg0, %mul3A_42 : i32
    %mul3A_44 = arith.constant 632 : i32
    %mul3A_45 = arith.muli %arg1, %mul3A_44 : i32
    %add3A_46 = arith.addi %mul3A_43, %mul3A_45 : i32
    "tpu.region"() ({
      %run_scoped3A = tpu.sem_alloc : memref<!tpu.dma_semaphore, #tpu.memory_space<semaphore_mem>>
      %dma_start3A_47 = arith.constant 0 : i32
      %dma_start3A_48 = tpu.memref_slice %arg6[%add3A_46, %dma_start3A_47] : memref<20224x128xf32, #tpu.memory_space<hbm>> -> memref<632x128xf32, #tpu.memory_space<hbm>>
      %dma_start3A_49 = arith.constant 0 : i32
      %dma_start3A_50 = tpu.memref_slice %arg16[%mul3A_41, %dma_start3A_49] : memref<10112x128xf32, #tpu.memory_space<vmem_shared>> -> memref<632x128xf32, #tpu.memory_space<vmem_shared>>
      tpu.enqueue_dma source(%dma_start3A_50 : memref<632x128xf32, #tpu.memory_space<vmem_shared>>) target(%dma_start3A_48 : memref<632x128xf32, #tpu.memory_space<hbm>>) target_semaphore(%run_scoped3A : memref<!tpu.dma_semaphore, #tpu.memory_space<semaphore_mem>>)
      %dma_wait3A_51 = arith.constant 0 : i32
      %dma_wait3A_52 = tpu.memref_slice %arg6[%add3A_46, %dma_wait3A_51] : memref<20224x128xf32, #tpu.memory_space<hbm>> -> memref<632x128xf32, #tpu.memory_space<hbm>>
      %dma_wait3A_53 = arith.constant 0 : i32
      %dma_wait3A_54 = tpu.memref_slice %arg16[%mul3A_41, %dma_wait3A_53] : memref<10112x128xf32, #tpu.memory_space<vmem_shared>> -> memref<632x128xf32, #tpu.memory_space<vmem_shared>>
      tpu.wait_dma2 semaphore(%run_scoped3A : memref<!tpu.dma_semaphore, #tpu.memory_space<semaphore_mem>>) src(%dma_wait3A_54 : memref<632x128xf32, #tpu.memory_space<vmem_shared>>) dst(%dma_wait3A_52 : memref<632x128xf32, #tpu.memory_space<hbm>>)
      tpu.yield
    }) : () -> ()
    return
  }
}

module attributes {stable_mosaic.version = 14 : i64} {
  func.func @_combine_body(%arg0: i32, %arg1: memref<2x2000x128xf32, #tpu.memory_space<vmem>>, %arg2: memref<2x2000x1xf32, #tpu.memory_space<vmem>>, %arg3: memref<2000x128xf32, #tpu.memory_space<vmem>>, %arg4: memref<128x128xf32, #tpu.memory_space<vmem>>, %arg5: memref<1x128xf32, #tpu.memory_space<vmem>>, %arg6: memref<128x128xf32, #tpu.memory_space<vmem>>, %arg7: memref<2000x128xf32, #tpu.memory_space<vmem>>) attributes {dimension_semantics = [#tpu.dimension_semantics<arbitrary>], iteration_bounds = array<i64: 5>, scalar_prefetch = 0 : i64, scratch_operands = 0 : i64, tpu.core_type = #tpu.core_type<tc>, window_params = [{transform_indices = @transform_0, window_bounds = array<i64: 2, 2000, 128>}, {transform_indices = @transform_1, window_bounds = array<i64: 2, 2000, 1>}, {transform_indices = @transform_2, window_bounds = array<i64: 2000, 128>}, {pipeline_mode = #tpu.pipeline_mode<synchronous>, transform_indices = @transform_3, window_bounds = array<i64: 128, 128>}, {pipeline_mode = #tpu.pipeline_mode<synchronous>, transform_indices = @transform_4, window_bounds = array<i64: 1, 128>}, {pipeline_mode = #tpu.pipeline_mode<synchronous>, transform_indices = @transform_5, window_bounds = array<i64: 128, 128>}, {transform_indices = @transform_6, window_bounds = array<i64: 2000, 128>}]} {
    %get3A = arith.constant 0 : index
    %get3A_0 = arith.constant 0 : index
    %get3A_1 = arith.constant 0 : index
    %get3A_2 = vector.load %arg1[%get3A, %get3A_0, %get3A_1] : memref<2x2000x128xf32, #tpu.memory_space<vmem>>, vector<1x2000x128xf32>
    %get3A_3 = vector.shape_cast %get3A_2 : vector<1x2000x128xf32> to vector<2000x128xf32>
    %get3A_4 = arith.constant 1 : index
    %get3A_5 = arith.constant 0 : index
    %get3A_6 = arith.constant 0 : index
    %get3A_7 = vector.load %arg1[%get3A_4, %get3A_5, %get3A_6] : memref<2x2000x128xf32, #tpu.memory_space<vmem>>, vector<1x2000x128xf32>
    %get3A_8 = vector.shape_cast %get3A_7 : vector<1x2000x128xf32> to vector<2000x128xf32>
    %add3A = arith.addf %get3A_3, %get3A_8 : vector<2000x128xf32>
    %get3A_9 = arith.constant 0 : index
    %get3A_10 = arith.constant 0 : index
    %get3A_11 = arith.constant 0 : index
    %get3A_12 = vector.load %arg2[%get3A_9, %get3A_10, %get3A_11] : memref<2x2000x1xf32, #tpu.memory_space<vmem>>, vector<1x2000x1xf32>
    %get3A_13 = vector.shape_cast %get3A_12 : vector<1x2000x1xf32> to vector<2000x1xf32>
    %get3A_14 = arith.constant 1 : index
    %get3A_15 = arith.constant 0 : index
    %get3A_16 = arith.constant 0 : index
    %get3A_17 = vector.load %arg2[%get3A_14, %get3A_15, %get3A_16] : memref<2x2000x1xf32, #tpu.memory_space<vmem>>, vector<1x2000x1xf32>
    %get3A_18 = vector.shape_cast %get3A_17 : vector<1x2000x1xf32> to vector<2000x1xf32>
    %add3A_19 = arith.addf %get3A_13, %get3A_18 : vector<2000x1xf32>
    %max3A = arith.constant 1.000000e+00 : f32
    %max3A_20 = vector.broadcast %max3A : f32 to vector<2000x1xf32>
    %max3A_21 = arith.maximumf %add3A_19, %max3A_20 : vector<2000x1xf32>
    %div3A = vector.broadcast %max3A_21 : vector<2000x1xf32> to vector<2000x128xf32>
    %div3A_22 = arith.divf %add3A, %div3A : vector<2000x128xf32>
    %get3A_23 = arith.constant 0 : index
    %get3A_24 = arith.constant 0 : index
    %get3A_25 = vector.load %arg4[%get3A_23, %get3A_24] : memref<128x128xf32, #tpu.memory_space<vmem>>, vector<128x128xf32>
    %dot_general3A = arith.constant dense<0.000000e+00> : vector<2000x128xf32>
    %dot_general3A_26 = tpu.matmul %div3A_22, %get3A_25, %dot_general3A {dimension_numbers = #tpu.dot_dimension_numbers<[1], [1], [0], [0], [0, 0, 1, 0], [], []>, transpose_lhs_hint = false} : vector<2000x128xf32>, vector<128x128xf32>, vector<2000x128xf32> -> vector<2000x128xf32>
    %get3A_27 = arith.constant 0 : index
    %get3A_28 = arith.constant 0 : index
    %get3A_29 = vector.load %arg3[%get3A_27, %get3A_28] : memref<2000x128xf32, #tpu.memory_space<vmem>>, vector<2000x128xf32>
    %get3A_30 = arith.constant 0 : index
    %get3A_31 = arith.constant 0 : index
    %get3A_32 = vector.load %arg6[%get3A_30, %get3A_31] : memref<128x128xf32, #tpu.memory_space<vmem>>, vector<128x128xf32>
    %dot_general3A_33 = arith.constant dense<0.000000e+00> : vector<2000x128xf32>
    %dot_general3A_34 = tpu.matmul %get3A_29, %get3A_32, %dot_general3A_33 {dimension_numbers = #tpu.dot_dimension_numbers<[1], [1], [0], [0], [0, 0, 1, 0], [], []>, transpose_lhs_hint = false} : vector<2000x128xf32>, vector<128x128xf32>, vector<2000x128xf32> -> vector<2000x128xf32>
    %add3A_35 = arith.addf %dot_general3A_26, %dot_general3A_34 : vector<2000x128xf32>
    %get3A_36 = arith.constant 0 : index
    %get3A_37 = arith.constant 0 : index
    %get3A_38 = vector.load %arg5[%get3A_36, %get3A_37] : memref<1x128xf32, #tpu.memory_space<vmem>>, vector<1x128xf32>
    %add3A_39 = vector.broadcast %get3A_38 : vector<1x128xf32> to vector<2000x128xf32>
    %add3A_40 = arith.addf %add3A_35, %add3A_39 : vector<2000x128xf32>
    %max3A_41 = arith.constant 0.000000e+00 : f32
    %max3A_42 = vector.broadcast %max3A_41 : f32 to vector<2000x128xf32>
    %max3A_43 = arith.maximumf %add3A_40, %max3A_42 : vector<2000x128xf32>
    %swap3A = arith.constant 0 : index
    %swap3A_44 = arith.constant 0 : index
    %swap3A_45 = vector.load %arg7[%swap3A, %swap3A_44] : memref<2000x128xf32, #tpu.memory_space<vmem>>, vector<2000x128xf32>
    tpu.vector_store %arg7[%swap3A, %swap3A_44], %max3A_43 {strides = array<i32>} : memref<2000x128xf32, #tpu.memory_space<vmem>>, vector<2000x128xf32>,
    return
  }
  func.func @transform_0(%arg0: i32) -> (i32, i32, i32) {
    %c0_i32 = arith.constant 0 : i32
    %c0_i32_0 = arith.constant 0 : i32
    %c0_i32_1 = arith.constant 0 : i32
    return %c0_i32, %arg0, %c0_i32_0 : i32, i32, i32
  }
  func.func @transform_1(%arg0: i32) -> (i32, i32, i32) {
    %c0_i32 = arith.constant 0 : i32
    %c0_i32_0 = arith.constant 0 : i32
    %c0_i32_1 = arith.constant 0 : i32
    return %c0_i32, %arg0, %c0_i32_0 : i32, i32, i32
  }
  func.func @transform_2(%arg0: i32) -> (i32, i32) {
    %c0_i32 = arith.constant 0 : i32
    %c0_i32_0 = arith.constant 0 : i32
    return %arg0, %c0_i32 : i32, i32
  }
  func.func @transform_3(%arg0: i32) -> (i32, i32) {
    %c0_i32 = arith.constant 0 : i32
    %c0_i32_0 = arith.constant 0 : i32
    %c0_i32_1 = arith.constant 0 : i32
    return %c0_i32, %c0_i32_0 : i32, i32
  }
  func.func @transform_4(%arg0: i32) -> (i32, i32) {
    %c0_i32 = arith.constant 0 : i32
    %c0_i32_0 = arith.constant 0 : i32
    %c0_i32_1 = arith.constant 0 : i32
    return %c0_i32, %c0_i32_0 : i32, i32
  }
  func.func @transform_5(%arg0: i32) -> (i32, i32) {
    %c0_i32 = arith.constant 0 : i32
    %c0_i32_0 = arith.constant 0 : i32
    %c0_i32_1 = arith.constant 0 : i32
    return %c0_i32, %c0_i32_0 : i32, i32
  }
  func.func @transform_6(%arg0: i32) -> (i32, i32) {
    %c0_i32 = arith.constant 0 : i32
    %c0_i32_0 = arith.constant 0 : i32
    return %arg0, %c0_i32 : i32, i32
  }
}

module attributes {stable_mosaic.version = 14 : i64} {
  func.func @_combine_body(%arg0: i32, %arg1: memref<2x2000x128xf32, #tpu.memory_space<vmem>>, %arg2: memref<2x2000x1xf32, #tpu.memory_space<vmem>>, %arg3: memref<2000x128xf32, #tpu.memory_space<vmem>>, %arg4: memref<128x128xf32, #tpu.memory_space<vmem>>, %arg5: memref<1x128xf32, #tpu.memory_space<vmem>>, %arg6: memref<128x128xf32, #tpu.memory_space<vmem>>, %arg7: memref<2000x128xf32, #tpu.memory_space<vmem>>) attributes {dimension_semantics = [#tpu.dimension_semantics<arbitrary>], iteration_bounds = array<i64: 5>, scalar_prefetch = 0 : i64, scratch_operands = 0 : i64, tpu.core_type = #tpu.core_type<tc>, window_params = [{transform_indices = @transform_0, window_bounds = array<i64: 2, 2000, 128>}, {transform_indices = @transform_1, window_bounds = array<i64: 2, 2000, 1>}, {transform_indices = @transform_2, window_bounds = array<i64: 2000, 128>}, {pipeline_mode = #tpu.pipeline_mode<synchronous>, transform_indices = @transform_3, window_bounds = array<i64: 128, 128>}, {pipeline_mode = #tpu.pipeline_mode<synchronous>, transform_indices = @transform_4, window_bounds = array<i64: 1, 128>}, {pipeline_mode = #tpu.pipeline_mode<synchronous>, transform_indices = @transform_5, window_bounds = array<i64: 128, 128>}, {transform_indices = @transform_6, window_bounds = array<i64: 2000, 128>}]} {
    %get3A = arith.constant 0 : index
    %get3A_0 = arith.constant 0 : index
    %get3A_1 = arith.constant 0 : index
    %get3A_2 = vector.load %arg1[%get3A, %get3A_0, %get3A_1] : memref<2x2000x128xf32, #tpu.memory_space<vmem>>, vector<1x2000x128xf32>
    %get3A_3 = vector.shape_cast %get3A_2 : vector<1x2000x128xf32> to vector<2000x128xf32>
    %get3A_4 = arith.constant 1 : index
    %get3A_5 = arith.constant 0 : index
    %get3A_6 = arith.constant 0 : index
    %get3A_7 = vector.load %arg1[%get3A_4, %get3A_5, %get3A_6] : memref<2x2000x128xf32, #tpu.memory_space<vmem>>, vector<1x2000x128xf32>
    %get3A_8 = vector.shape_cast %get3A_7 : vector<1x2000x128xf32> to vector<2000x128xf32>
    %add3A = arith.addf %get3A_3, %get3A_8 : vector<2000x128xf32>
    %get3A_9 = arith.constant 0 : index
    %get3A_10 = arith.constant 0 : index
    %get3A_11 = arith.constant 0 : index
    %get3A_12 = vector.load %arg2[%get3A_9, %get3A_10, %get3A_11] : memref<2x2000x1xf32, #tpu.memory_space<vmem>>, vector<1x2000x1xf32>
    %get3A_13 = vector.shape_cast %get3A_12 : vector<1x2000x1xf32> to vector<2000x1xf32>
    %get3A_14 = arith.constant 1 : index
    %get3A_15 = arith.constant 0 : index
    %get3A_16 = arith.constant 0 : index
    %get3A_17 = vector.load %arg2[%get3A_14, %get3A_15, %get3A_16] : memref<2x2000x1xf32, #tpu.memory_space<vmem>>, vector<1x2000x1xf32>
    %get3A_18 = vector.shape_cast %get3A_17 : vector<1x2000x1xf32> to vector<2000x1xf32>
    %add3A_19 = arith.addf %get3A_13, %get3A_18 : vector<2000x1xf32>
    %max3A = arith.constant 1.000000e+00 : f32
    %max3A_20 = vector.broadcast %max3A : f32 to vector<2000x1xf32>
    %max3A_21 = arith.maximumf %add3A_19, %max3A_20 : vector<2000x1xf32>
    %div3A = vector.broadcast %max3A_21 : vector<2000x1xf32> to vector<2000x128xf32>
    %div3A_22 = arith.divf %add3A, %div3A : vector<2000x128xf32>
    %get3A_23 = arith.constant 0 : index
    %get3A_24 = arith.constant 0 : index
    %get3A_25 = vector.load %arg4[%get3A_23, %get3A_24] : memref<128x128xf32, #tpu.memory_space<vmem>>, vector<128x128xf32>
    %dot_general3A = arith.constant dense<0.000000e+00> : vector<2000x128xf32>
    %dot_general3A_26 = tpu.matmul %div3A_22, %get3A_25, %dot_general3A {dimension_numbers = #tpu.dot_dimension_numbers<[1], [1], [0], [0], [0, 0, 1, 0], [], []>, transpose_lhs_hint = false} : vector<2000x128xf32>, vector<128x128xf32>, vector<2000x128xf32> -> vector<2000x128xf32>
    %get3A_27 = arith.constant 0 : index
    %get3A_28 = arith.constant 0 : index
    %get3A_29 = vector.load %arg3[%get3A_27, %get3A_28] : memref<2000x128xf32, #tpu.memory_space<vmem>>, vector<2000x128xf32>
    %get3A_30 = arith.constant 0 : index
    %get3A_31 = arith.constant 0 : index
    %get3A_32 = vector.load %arg6[%get3A_30, %get3A_31] : memref<128x128xf32, #tpu.memory_space<vmem>>, vector<128x128xf32>
    %dot_general3A_33 = arith.constant dense<0.000000e+00> : vector<2000x128xf32>
    %dot_general3A_34 = tpu.matmul %get3A_29, %get3A_32, %dot_general3A_33 {dimension_numbers = #tpu.dot_dimension_numbers<[1], [1], [0], [0], [0, 0, 1, 0], [], []>, transpose_lhs_hint = false} : vector<2000x128xf32>, vector<128x128xf32>, vector<2000x128xf32> -> vector<2000x128xf32>
    %add3A_35 = arith.addf %dot_general3A_26, %dot_general3A_34 : vector<2000x128xf32>
    %get3A_36 = arith.constant 0 : index
    %get3A_37 = arith.constant 0 : index
    %get3A_38 = vector.load %arg5[%get3A_36, %get3A_37] : memref<1x128xf32, #tpu.memory_space<vmem>>, vector<1x128xf32>
    %add3A_39 = vector.broadcast %get3A_38 : vector<1x128xf32> to vector<2000x128xf32>
    %add3A_40 = arith.addf %add3A_35, %add3A_39 : vector<2000x128xf32>
    %tanh3A = math.tanh %add3A_40 : vector<2000x128xf32>
    %swap3A = arith.constant 0 : index
    %swap3A_41 = arith.constant 0 : index
    %swap3A_42 = vector.load %arg7[%swap3A, %swap3A_41] : memref<2000x128xf32, #tpu.memory_space<vmem>>, vector<2000x128xf32>
    tpu.vector_store %arg7[%swap3A, %swap3A_41], %tanh3A {strides = array<i32>} : memref<2000x128xf32, #tpu.memory_space<vmem>>, vector<2000x128xf32>,
    return
  }
  func.func @transform_0(%arg0: i32) -> (i32, i32, i32) {
    %c0_i32 = arith.constant 0 : i32
    %c0_i32_0 = arith.constant 0 : i32
    %c0_i32_1 = arith.constant 0 : i32
    return %c0_i32, %arg0, %c0_i32_0 : i32, i32, i32
  }
  func.func @transform_1(%arg0: i32) -> (i32, i32, i32) {
    %c0_i32 = arith.constant 0 : i32
    %c0_i32_0 = arith.constant 0 : i32
    %c0_i32_1 = arith.constant 0 : i32
    return %c0_i32, %arg0, %c0_i32_0 : i32, i32, i32
  }
  func.func @transform_2(%arg0: i32) -> (i32, i32) {
    %c0_i32 = arith.constant 0 : i32
    %c0_i32_0 = arith.constant 0 : i32
    return %arg0, %c0_i32 : i32, i32
  }
  func.func @transform_3(%arg0: i32) -> (i32, i32) {
    %c0_i32 = arith.constant 0 : i32
    %c0_i32_0 = arith.constant 0 : i32
    %c0_i32_1 = arith.constant 0 : i32
    return %c0_i32, %c0_i32_0 : i32, i32
  }
  func.func @transform_4(%arg0: i32) -> (i32, i32) {
    %c0_i32 = arith.constant 0 : i32
    %c0_i32_0 = arith.constant 0 : i32
    %c0_i32_1 = arith.constant 0 : i32
    return %c0_i32, %c0_i32_0 : i32, i32
  }
  func.func @transform_5(%arg0: i32) -> (i32, i32) {
    %c0_i32 = arith.constant 0 : i32
    %c0_i32_0 = arith.constant 0 : i32
    %c0_i32_1 = arith.constant 0 : i32
    return %c0_i32, %c0_i32_0 : i32, i32
  }
  func.func @transform_6(%arg0: i32) -> (i32, i32) {
    %c0_i32 = arith.constant 0 : i32
    %c0_i32_0 = arith.constant 0 : i32
    return %arg0, %c0_i32 : i32, i32
  }
}

</mosaic_0001>

<sc_bundles>
// kernel: kernel.11.cloned.1.call-start
scs
__scs_entry_jumppad:
0x0: {  	(pc) =	sbr.rel $0x88, $3  }
0x1: {  	(tag) =	ssettag $0x0;
	lr =	simm.s32 $0x1  }
0x2: {  	[smem:$0x3F96] =	sst lr;
	_ =	strace $0xD0000000  }
0x3: {  	_ = 	snop  }
0x4: {  	_ = 	snop  }
0x5: {  	_ = 	snop  }
0x6: {  	_ = 	snop  }
0x7: {  	_ = 	snop  }
__scs_overlays_trampoline_lowered:
0x8: {  	[smem:$0x3FA5] =	sst s0  }
0x9: {  	[smem:$0x3FA6] =	sst s1  }
0xa: {  	[smem:$0x3FA7] =	sst s2  }
0xb: {  	[smem:$0x3FA8] =	sst s3  }
0xc: {  	[smem:$0x3FA9] =	sst s4  }
0xd: {  	[smem:$0x3FAA] =	sst s5  }
0xe: {  	[smem:$0x3FAB] =	sst s6  }
0xf: {  	[smem:$0x3FAC] =	sst s7  }
0x10: {  	[smem:$0x3FAD] =	sst s8  }
0x11: {  	[smem:$0x3FAE] =	sst s9;
	s0 =	simm.s32 @!p0 $0x0  }
0x12: {  	s1 =	sld [smem:$0x3F94];
	s0 =	simm.s32 @p0 $0x1  }
0x13: {  	[smem:$0x3FAF] =	sst s0;
	s0 =	simm.s32 @!p1 $0x0  }
0x14: {  	s2 =	sld [smem:$0x3F93];
	s0 =	simm.s32 @p1 $0x1  }
0x15: {  	[smem:$0x3FB0] =	sst s0;
	s0 =	simm.s32 @!p2 $0x0  }
0x16: {  	s3 =	sld [smem:$0x3FDB];
	s0 =	simm.s32 @p2 $0x1  }
0x17: {  	s4 =	simm.s32 $0x1BF5;
	[smem:$0x3FB2] =	sst s0  }
0x18: {  	s0 =	sld [smem:$0x3F95];
	_ =	swait.ge [sflag:s4], $0x0  }
0x19: {  	s7 =	sld [smem:$0x3F96]  }
0x1a: {  	s8 =	sadd.s32 $0xFFFFE003, lr  }
0x1b: {  	s9 =	sadd.s32 $0xFFFFFEF7, lr;
	s5 =	simm.s32 $0xFFFFFFFF;
	p2 =	slt.u32 s8, $0xFFFFF086  }
0x1c: {  	p1 =	slt.u32 s9, $0xF7A;
	s5 =	simm.s32 @!p2 $0x0  }
0x1d: {  	s5 =	simm.s32 @p1 $0x1;
	p0 =	seq.s32 s7, s2  }
0x1e: {  	s7 =	smul.u32 @!p0 $0xF7A, s2;
	p2 =	seq.s32 @!p0 s5, $0x0  }
0x1f: {  	s9 =	smul.u32 $0xF7A, s1;
	s8 =	simm.s32 @!p0 $0x1BF5;
	p2 =	por !p2, p0  }
0x20: {  	[sflag:s8] =	ssyncset.s32 @!p0 $0xFFFFF086;
	s6 =	sadd.s32 @!p0 s3, s7;
	s7 =	simm.s32 @!p0 $0x108  }
0x21: {  	s3 =	sadd.s32 s3, s9;
	s6 =	sadd.s32 @!p0 $0x88, s6;
	s7 =	simm.s32 @p2 $0x1082  }
0x22: {  	[simem:s7], [sflag:s8] =	dma.local @!p0 [hbm:s6], $0xF7A  }
0x23: {  	s9 =	sor.u32 $0xD0000000, s2;
	s6 =	simm.s32 $0x108;
	_ =	swait.ge @!p0 [sflag:s8], $0x0  }
0x24: {  	s3 =	sadd.s32 $0x88, s3;
	s6 =	simm.s32 @!p1 $0x1082;
	[sflag:s4] =	ssyncset.s32 $0xFFFFF086  }
0x25: {  	[simem:s6], [sflag:s4] =	dma.local [hbm:s3], $0xF7A  }
0x26: {  	[smem:$0x3F96] =	sst s1;
	(tag) =	ssettag s2;
	_ =	strace s9  }
0x27: {  	s1 =	sld [smem:$0x3FA6]  }
0x28: {  	s2 =	sld [smem:$0x3FA7]  }
0x29: {  	s4 =	sld [smem:$0x3FA9]  }
0x2a: {  	p0 =	seq.s32 s5, $0x0;
	s5 =	sld [smem:$0x3FAA]  }
0x2b: {  	s6 =	sld [smem:$0x3FAB]  }
0x2c: {  	s7 =	sld [smem:$0x3FAC]  }
0x2d: {  	s3 =	simm.s32 $0x108;
	s8 =	sld [smem:$0x3FAD]  }
0x2e: {  	s3 =	simm.s32 @!p0 $0x1082;
	s9 =	sld [smem:$0x3FAE]  }
0x2f: {  	lr =	sadd.s32 s0, s3;
	s0 =	sld [smem:$0x3FA5]  }
0x30: {  	s3 =	sld [smem:$0x3FA8]  }
0x31: {  	[smem:$0x3FB1] =	sst s10  }
0x32: {  	s10 =	sld [smem:$0x3FAF];
	_ =	sdelay $0x3  }
0x33: {  	p0 =	seq.s32 s10, $0x1;
	s10 =	sld [smem:$0x3FB1];
	_ =	sdelay $0x3  }
0x34: {  	[smem:$0x3FB1] =	sst s10  }
0x35: {  	s10 =	sld [smem:$0x3FB0];
	_ =	sdelay $0x3  }
0x36: {  	p1 =	seq.s32 s10, $0x1;
	s10 =	sld [smem:$0x3FB1];
	_ =	sdelay $0x3  }
0x37: {  	[smem:$0x3FB1] =	sst s10  }
0x38: {  	s10 =	sld [smem:$0x3FB2]  }
0x39: {  	_ = 	snop;
	(pc) =	sbr.ind lr, $3  }
0x3a: {  	_ = 	snop  }
0x3b: {  	_ = 	snop  }
0x3c: {  	p2 =	seq.s32 s10, $0x1;
	s10 =	sld [smem:$0x3FB1]  }
0x3d: {  	_ =	shalt  }
0x3e: {  	_ =	shalt  }
0x3f: {  	_ =	shalt  }
0x40: {  	_ =	shalt  }
0x41: {  	_ =	shalt  }
0x42: {  	_ =	shalt  }
0x43: {  	_ =	shalt  }
0x44: {  	_ =	shalt  }
0x45: {  	_ =	shalt  }
0x46: {  	_ =	shalt  }
0x47: {  	_ =	shalt  }
0x48: {  	_ =	shalt  }
0x49: {  	_ =	shalt  }
0x4a: {  	_ =	shalt  }
0x4b: {  	_ =	shalt  }
0x4c: {  	_ =	shalt  }
0x4d: {  	_ =	shalt  }
0x4e: {  	_ =	shalt  }
0x4f: {  	_ =	shalt  }
0x50: {  	_ =	shalt  }
0x51: {  	_ =	shalt  }
0x52: {  	_ =	shalt  }
0x53: {  	_ =	shalt  }
0x54: {  	_ =	shalt  }
0x55: {  	_ =	shalt  }
0x56: {  	_ =	shalt  }
0x57: {  	_ =	shalt  }
0x58: {  	_ =	shalt  }
0x59: {  	_ =	shalt  }
0x5a: {  	_ =	shalt  }
0x5b: {  	_ =	shalt  }
0x5c: {  	_ =	shalt  }
0x5d: {  	_ =	shalt  }
0x5e: {  	_ =	shalt  }
0x5f: {  	_ =	shalt  }
0x60: {  	_ =	shalt  }
0x61: {  	_ =	shalt  }
0x62: {  	_ =	shalt  }
0x63: {  	_ =	shalt  }
0x64: {  	_ =	shalt  }
0x65: {  	_ =	shalt  }
0x66: {  	_ =	shalt  }
0x67: {  	_ =	shalt  }
0x68: {  	_ =	shalt  }
0x69: {  	_ =	shalt  }
0x6a: {  	_ =	shalt  }
0x6b: {  	_ =	shalt  }
0x6c: {  	_ =	shalt  }
0x6d: {  	_ =	shalt  }
0x6e: {  	_ =	shalt  }
0x6f: {  	_ =	shalt  }
0x70: {  	_ =	shalt  }
0x71: {  	_ =	shalt  }
0x72: {  	_ =	shalt  }
0x73: {  	_ =	shalt  }
0x74: {  	_ =	shalt  }
0x75: {  	_ =	shalt  }
0x76: {  	_ =	shalt  }
0x77: {  	_ =	shalt  }
0x78: {  	_ =	shalt  }
0x79: {  	_ =	shalt  }
0x7a: {  	_ =	shalt  }
0x7b: {  	_ =	shalt  }
0x7c: {  	_ =	shalt  }
0x7d: {  	_ =	shalt  }
0x7e: {  	_ =	shalt  }
0x7f: {  	_ =	shalt  }
0x80: {  	_ =	shalt  }
0x81: {  	_ =	shalt  }
0x82: {  	_ =	shalt  }
0x83: {  	_ =	shalt  }
0x84: {  	_ =	shalt  }
0x85: {  	_ =	shalt  }
0x86: {  	_ =	shalt  }
0x87: {  	_ =	shalt  }
.Lfunc_end0:
.L_simem_size_0:
called_computation.1_lowered:
.L_overlay_start_0:
0x88: {  	s2 =	sld [smem:$0x3FD9]  }
0x89: {  	s3 =	sld [smem:$0x3FFE];
	_ =	sdelay $0x1  }
0x8a: {  	s1 =	srdreg.scid  }
0x8b: {  	s0 =	sand.u32 $0x1, s1  }
0x8c: {  	s17 =	sshll.u32 s0, $0xA;
	s2 =	sadd.s32 s3, s2  }
0x8d: {  	s2 =	sadd.s32 s2, s17  }
0x8e: {  	[smem:$0x3FBD] =	sst s2  }
0x8f: {  	_ = 	snop  }
0x90: {  	s2 =	sld [smem:$0x3FD0];
	(tm) =	ssettm $0x1  }
0x91: {  	s18 =	sld [smem:$0x3FFB];
	_ =	sdelay $0x3  }
0x92: {  	_ =	strace s18  }
0x93: {  	s3 =	sld [smem:$0x3FFC];
	_ =	sdelay $0x3  }
0x94: {  	_ =	strace s3  }
0x95: {  	s3 =	sld [smem:$0x3FFD];
	_ =	sdelay $0x3  }
0x96: {  	_ =	strace s3  }
0x97: {  	_ =	strace $0x8FFFFFFF  }
0x98: {  	s19 =	sld [smem:$0x3FDB];
	_ =	sdelay $0x1  }
0x99: {  	s4 =	simm.s32 $_scs_section_size  }
0x9a: {  	s5 =	simm.s32 $_size__tile_overlayer_lowered;
	s6 =	simm.s32 $_tile_overlayer_lowered  }
0x9b: {  	s22 =	simm.s32 $0x1BFF;
	s21 =	sshll.u32 s6, $0x1;
	s3 =	sadd.s32 s4, s19  }
0x9c: {  	s7 =	simm.s32 $0x0;
	s20 =	sshll.u32 s5, $0x1;
	s5 =	sadd.s32 s21, s3  }
0x9d: {  	[timem:s7], [sflag:s22] =	dma.local [hbm:s5], s20  }
0x9e: {  	_ =	swait.ge [sflag:s22], s20  }
0x9f: {  	s4 =	ssub.s32 $0x0, s20;
	[sflag:s22] =	ssyncset.done $0x0  }
0xa0: {  	[sflag:s22] =	ssyncadd.s32 s4;
	_ =	sdelay $0x1  }
0xa1: {  	s23 =	simm.s32 $0x1B8B  }
0xa2: {  	_ =	swait.ge [sflag:s23], $0x1  }
0xa3: {  	[sflag:s23] =	ssyncset.done $0x0  }
0xa4: {  	s25 =	simm.s32 $0x1B8E;
	s24 =	sld [smem:$0x3FFE];
	[sflag:s23] =	ssyncadd.s32 $0xFFFFFFFF  }
0xa5: {  	s26 =	simm.s32 $execute0_lowered;
	[smem:$0x3FD2] =	sst s25  }
0xa6: {  	s5 =	sshll.u32 s26, $0x1;
	_ =	strace $0x80000049;
	[dreg:$0x1] =	wrdreg $0xFFFFFFFF  }
0xa7: {  	s28 =	simm.s32 $_size_execute0_lowered;
	s3 =	sadd.s32 s3, s5;
	[dreg:$0x0] =	wrdreg $0x0  }
0xa8: {  	s5 =	sshll.u32 s28, $0x1;
	[dreg:$0x2] =	wrdreg s3  }
0xa9: {  	[dreg:$0x3] =	wrdreg s5  }
0xaa: {  	[dreg:$0x4] =	wrdreg $0xC0  }
0xab: {  	_ =	task [dreg:s7], $0x5FFFF  }
0xac: {  	[dreg:$0x1] =	wrdreg $0xFFFFFFFF  }
0xad: {  	[dreg:$0x0] =	wrdreg $0x60  }
0xae: {  	[dreg:$0x2] =	wrdreg s2  }
0xaf: {  	[dreg:$0x3] =	wrdreg s24  }
0xb0: {  	[dreg:$0x4] =	wrdreg $0xB1000  }
0xb1: {  	[dreg:$0x5] =	wrdreg $0x9  }
0xb2: {  	_ =	task.clear_ibuf [dreg:s7], $0x6FFFF;
	_ =	strace $0x90000049  }
0xb3: {  	s29 =	simm.s32 $0x9;
	_ =	strace $0x8000004B  }
0xb4: {  	_ =	swait.ge [sflag:s29], $0x1  }
0xb5: {  	[sflag:s29] =	ssyncadd.s32 $0xFFFFFFFF  }
0xb6: {  	_ =	strace $0x9000004B  }
0xb7: {  	_ =	sfence  }
0xb8: {  	s30 =	sld [smem:$0x0];
	_ =	sdelay $0x2  }
0xb9: {  	s31 =	sshll.u32 s1, $0xD;
	s1 =	sshrl.u32 s1, $0x2  }
0xba: {  	s3 =	sand.u32 $0x4000, s31;
	s1 =	sadd.s32 s1, s30  }
0xbb: {  	s0 =	sor.u32 s3, s0;
	s1 =	sshll.u32 s1, $0x11  }
0xbc: {  	s0 =	sor.u32 s1, s0  }
0xbd: {  	s0 =	sadd.s32 $0x8F2B, s0  }
0xbe: {  	[sflag:s0] =	ssyncadd.remote.s32 $0x1  }
0xbf: {  	_ =	sfence.sel $0xFFFF  }
0xc0: {  	[dreg:$0x0] =	wrdreg $0xFFFFFFFF;
	(pc) =	sbr.abs _section_cstart, $3  }
0xc1: {  	[dreg:$0x1] =	wrdreg $0xFFFFFFFF  }
0xc2: {  	_ =	task.clear_ibuf [dreg:s7], $0x2FFFF;
	_ =	strace $0x9FFFFFFF  }
0xc3: {  	(tm) =	ssettm $0x7FFFFFFF  }
tec
execute0_lowered:
.L_overlay_start_1:
0x0: {  	(tag) =	ssettag $0x1  }
0x1: {  	s1 =	rddreg [dreg:$0x0]  }
0x2: {  	s0 =	srdreg.scid;
	s2 =	rddreg [dreg:$0x1]  }
0x3: {  	s12 =	stileid.u32;
	s3 =	rddreg [dreg:$0x2]  }
0x4: {  	s18 =	simm.s32 $0x7;
	s19 =	simm.s32 $0x2780;
	s20 =	simm.s32 $0x2900  }
0x5: {  	s28 =	simm.s32 $0x80;
	s29 =	simm.s32 $0x6900;
	s30 =	simm.s32 $0x1  }
0x6: {  	s31 =	simm.s32 $0x3;
	s0 =	sand.u32 $0x1, s0;
	s6 =	smul.u32 $0x2780, s12  }
0x7: {  	s4 =	sshll.u32 s12, $0x1;
	s10 =	sadd.s32 $0x16C00, s2;
	s22 =	smul.u32 $0x4F000, s12  }
0x8: {  	s11 =	smul.u32 $0x4E20, s12;
	s12 =	sshll.u32 s12, $0x6;
	s5 =	sor.u32 s0, s4  }
0x9: {  	s4 =	simm.s32 $0x0;
	s8 =	smul.u32 $0x27800, s0;
	s21 =	ssub.s32 $0x2, s0  }
0xa: {  	s0 =	smul.u32 $0x2710, s0;
	s25 =	sor.u32 $0x1C05, s12;
	[smem:$0x7FF] =	sst s4  }
0xb: {  	s5 =	smul.u32 $0x2710, s5;
	_ =	strace $0x8000004A;
	[dreg:$0x4] =	wrdreg s10  }
0xc: {  	s23 =	sshrl.u32 s21, $0x1;
	s6 =	sadd.s32 s6, s8;
	[dreg:$0x5] =	wrdreg s12  }
0xd: {  	s10 =	sshrl.u32 s22, $0x2;
	[dreg:$0x6] =	wrdreg s25;
	s0 =	sadd.s32 s0, s11  }
0xe: {  	s22 =	simm.s32 $0x10;
	s25 =	simm.s32 $0x5;
	s7 =	sshrl.u32 s5, $0x3  }
0xf: {  	s5 =	sadd.s32 $0x3000, s2;
	s24 =	sadd.s32 s10, s3;
	s26 =	sadd.s32 $0x80, s0  }
0x10: {  	s16 =	sadd.s32 $0x100, s0;
	s0 =	simm.s32 $0x4;
	s9 =	sadd.s32 s7, s2  }
0x11: {  	s2 =	sadd.s32 s6, s2;
	s6 =	ssub.s32 s21, s23;
	s10 =	sadd.s32 s5, s7  }
0x12: {  	s17 =	sshrl.u32 s24, $0x3;
	s21 =	simm.s32 $0x2880;
	s9 =	sadd.s32 $0xCE00, s9  }
0x13: {  	s24 =	simm.s32 $0xA900;
	s7 =	sadd.s32 $0x4E0, s10;
	[dreg:$0x7] =	wrdreg s9  }
0x14: {  	s23 =	simm.s32 $0x6;
	s2 =	sadd.s32 $0x19400, s2;
	[dreg:$0x8] =	wrdreg s7  }
0x15: {  	s6 =	smax.u32 s6, $0x1;
	s14 =	sadd.s32 $0x4D0, s10;
	[dreg:$0x9] =	wrdreg s2  }
0x16: {  	[dreg:$0xa] =	wrdreg s6;
	s2 =	sshrl.u32 s26, $0x3;
	s26 =	simm.s32 $0x2800  }
0x17: {  	s6 =	simm.s32 $0x0;
	s15 =	sadd.s32 s2, s5;
	s2 =	simm.s32 $0x2  }
.LBB2_1:
0x18: {  	s7 =	rddreg [dreg:$0x4]  }
0x19: {  	s8 =	rddreg [dreg:$0x6]  }
0x1a: {  	[spmem:s17], [sflag:s8] =	dma.local [hbm:s7], $0x2780  }
0x1b: {  	s7 =	rddreg [dreg:$0x7]  }
0x1c: {  	[tilespmem:s4], [sflag:$0x7] =	stream.linear.gather [hbm4b:s7+s4], $0x2710, $0x38;
	[tilespmem:$0x1ED00] =	vst v63  }
0x1d: {  	_ =	swait.ge [sflag:s18], $0x2710  }
0x1e: {  	[sflag:s18] =	ssyncset.done $0x0  }
0x1f: {  	[sflag:s18] =	ssyncadd.s32 $0xFFFFD8F0  }
0x20: {  	[tilespmem:s19], [sflag:$0x3] =	stream.linear.gather [hbm4b:s10+s4], $0x80, $0x38;
	[tilespmem:$0x1ED00] =	vst v63  }
0x21: {  	_ = 	snop  }
0x22: {  	[tilespmem:s20], [sflag:$0x1] =	stream.indirect.gather [hbm4b:s1+s28], $0x80, s4, s28, $0xb8;
	[tilespmem:$0x1ED00] =	vst v63  }
0x23: {  	s8 =	rddreg [dreg:$0x8]  }
0x24: {  	[tilespmem:s21], [sflag:$0x6] =	stream.linear.gather [hbm4b:s8+s4], $0x10, $0x38;
	[tilespmem:$0x1ED00] =	vst v63  }
0x25: {  	s9 =	simm.s32 $0x2700  }
0x26: {  	[tilespmem:s24], [sflag:$0x6] =	stream.indirect.gather [hbm4b:s1+s22], $0x80, s9, s22, $0xb8;
	[tilespmem:$0x1ED00] =	vst v63  }
0x27: {  	_ =	swait.ge [sflag:s25], $0x2780  }
0x28: {  	[sflag:s25] =	ssyncset.done $0x0  }
0x29: {  	[sflag:s25] =	ssyncadd.s32 $0xFFFFD880  }
0x2a: {  	s11 =	sadd.s32 $0x0, s15;
	[bflag:$0x0] =	sbarrier.arrive $0xFFFF  }
0x2b: {  	[tilespmem:s26], [sflag:$0x4] =	stream.linear.gather [hbm4b:s11+s4], $0x80, $0x38;
	[tilespmem:$0x1ED00] =	vst v63  }
0x2c: {  	_ = 	snop  }
0x2d: {  	[tilespmem:s29], [sflag:$0x2] =	stream.indirect.gather [hbm4b:s1+s28], $0x80, s28, s28, $0xb8;
	[tilespmem:$0x1ED00] =	vst v63  }
0x2e: {  	_ =	swait.ge [sflag:s30], $0x4000  }
0x2f: {  	[sflag:s30] =	ssyncset.done $0x0  }
0x30: {  	[sflag:s30] =	ssyncadd.s32 $0xFFFFC000  }
0x31: {  	_ =	swait.ge [sflag:s31], $0x80  }
0x32: {  	[sflag:s31] =	ssyncset.done $0x0  }
0x33: {  	[sflag:s31] =	ssyncadd.s32 $0xFFFFFF80  }
0x34: {  	[spmem:s3] =	stream.indirect.scatter.add.f32 [tilespmem:s20], [sflag:$0x7], $0x80, s19, s28, $0xb8;
	[tilespmem:$0x1ED00] =	vst v63  }
0x35: {  	_ =	swait.ge [sflag:s18], $0x4000  }
0x36: {  	s12 =	sshrl.u32 s16, $0x3;
	[sflag:s18] =	ssyncset.done $0x0  }
0x37: {  	s7 =	sadd.s32 s5, s12;
	[sflag:s18] =	ssyncadd.s32 $0xFFFFC000  }
0x38: {  	[tilespmem:s19], [sflag:$0x3] =	stream.linear.gather [hbm4b:s7+s4], $0x80, $0x38;
	[tilespmem:$0x1ED00] =	vst v63  }
0x39: {  	s13 =	simm.s32 $0x100  }
0x3a: {  	[tilespmem:s20], [sflag:$0x1] =	stream.indirect.gather [hbm4b:s1+s28], $0x80, s13, s28, $0xb8;
	[tilespmem:$0x1ED00] =	vst v63  }
0x3b: {  	_ =	swait.ge [sflag:s2], $0x4000  }
0x3c: {  	[sflag:s2] =	ssyncset.done $0x0  }
0x3d: {  	[sflag:s2] =	ssyncadd.s32 $0xFFFFC000  }
0x3e: {  	_ =	swait.ge [sflag:s0], $0x80  }
0x3f: {  	[sflag:s0] =	ssyncset.done $0x0  }
0x40: {  	[sflag:s0] =	ssyncadd.s32 $0xFFFFFF80  }
0x41: {  	[spmem:s3] =	stream.indirect.scatter.add.f32 [tilespmem:s29], [sflag:$0x7], $0x80, s26, s28, $0xb8;
	[tilespmem:$0x1ED00] =	vst v63  }
0x42: {  	s8 =	simm.s32 $0x180;
	s9 =	sadd.s32 $0x100, s16;
	_ =	swait.ge [sflag:s18], $0x4000  }
0x43: {  	s11 =	simm.s32 $0x40;
	s7 =	simm.s32 $0x20;
	[sflag:s18] =	ssyncset.done $0x0  }
.LBB2_2:
0x44: {  	s12 =	sadd.s32 s7, s15  }
0x45: {  	[sflag:s18] =	ssyncadd.s32 $0xFFFFC000;
	s7 =	smov.u32 s11;
	s13 =	sadd.s32 $0x20, s11  }
0x46: {  	[tilespmem:s26], [sflag:$0x4] =	stream.linear.gather [hbm4b:s12+s4], $0x80, $0x38;
	[tilespmem:$0x1ED00] =	vst v63  }
0x47: {  	p0 =	sne.s32 s11, $0x4A0  }
0x48: {  	[tilespmem:s29], [sflag:$0x2] =	stream.indirect.gather [hbm4b:s1+s28], $0x80, s8, s28, $0xb8;
	[tilespmem:$0x1ED00] =	vst v63  }
0x49: {  	_ =	swait.ge [sflag:s30], $0x4000  }
0x4a: {  	[sflag:s30] =	ssyncset.done $0x0  }
0x4b: {  	[sflag:s30] =	ssyncadd.s32 $0xFFFFC000  }
0x4c: {  	_ =	swait.ge [sflag:s31], $0x80  }
0x4d: {  	[sflag:s31] =	ssyncset.done $0x0  }
0x4e: {  	[sflag:s31] =	ssyncadd.s32 $0xFFFFFF80  }
0x4f: {  	[spmem:s3] =	stream.indirect.scatter.add.f32 [tilespmem:s20], [sflag:$0x7], $0x80, s19, s28, $0xb8;
	[tilespmem:$0x1ED00] =	vst v63  }
0x50: {  	_ =	swait.ge [sflag:s18], $0x4000  }
0x51: {  	s11 =	sshrl.u32 s9, $0x3;
	[sflag:s18] =	ssyncset.done $0x0  }
0x52: {  	s11 =	sadd.s32 s5, s11;
	[sflag:s18] =	ssyncadd.s32 $0xFFFFC000  }
0x53: {  	[tilespmem:s19], [sflag:$0x3] =	stream.linear.gather [hbm4b:s11+s4], $0x80, $0x38;
	[tilespmem:$0x1ED00] =	vst v63  }
0x54: {  	s11 =	sadd.s32 $0x80, s8  }
0x55: {  	[tilespmem:s20], [sflag:$0x1] =	stream.indirect.gather [hbm4b:s1+s28], $0x80, s11, s28, $0xb8;
	[tilespmem:$0x1ED00] =	vst v63  }
0x56: {  	_ =	swait.ge [sflag:s2], $0x4000  }
0x57: {  	[sflag:s2] =	ssyncset.done $0x0  }
0x58: {  	[sflag:s2] =	ssyncadd.s32 $0xFFFFC000  }
0x59: {  	_ =	swait.ge [sflag:s0], $0x80  }
.Ltmp0:
0x5a: {  	[sflag:s0] =	ssyncset.done $0x0;
	(pc) =	sbr.rel @p0 .LBB2_2-.Ltmp0, $4  }
0x5b: {  	[sflag:s0] =	ssyncadd.s32 $0xFFFFFF80  }
0x5c: {  	[spmem:s3] =	stream.indirect.scatter.add.f32 [tilespmem:s29], [sflag:$0x7], $0x80, s26, s28, $0xb8;
	[tilespmem:$0x1ED00] =	vst v63  }
0x5d: {  	s9 =	sadd.s32 $0x100, s9;
	_ =	swait.ge [sflag:s18], $0x4000  }
0x5e: {  	s8 =	sadd.s32 $0x100, s8;
	s11 =	smov.u32 s13;
	[sflag:s18] =	ssyncset.done $0x0  }
0x5f: {  	s7 =	sadd.s32 s7, s15;
	[sflag:s18] =	ssyncadd.s32 $0xFFFFC000  }
0x60: {  	[tilespmem:s26], [sflag:$0x4] =	stream.linear.gather [hbm4b:s7+s4], $0x80, $0x38;
	[tilespmem:$0x1ED00] =	vst v63  }
0x61: {  	_ = 	snop  }
0x62: {  	[tilespmem:s29], [sflag:$0x2] =	stream.indirect.gather [hbm4b:s1+s28], $0x80, s8, s28, $0xb8;
	[tilespmem:$0x1ED00] =	vst v63  }
0x63: {  	_ =	swait.ge [sflag:s30], $0x4000  }
0x64: {  	[sflag:s30] =	ssyncset.done $0x0  }
0x65: {  	[sflag:s30] =	ssyncadd.s32 $0xFFFFC000  }
0x66: {  	_ =	swait.ge [sflag:s31], $0x80  }
0x67: {  	[sflag:s31] =	ssyncset.done $0x0  }
0x68: {  	[sflag:s31] =	ssyncadd.s32 $0xFFFFFF80  }
0x69: {  	[spmem:s3] =	stream.indirect.scatter.add.f32 [tilespmem:s20], [sflag:$0x7], $0x80, s19, s28, $0xb8;
	[tilespmem:$0x1ED00] =	vst v63  }
0x6a: {  	_ =	swait.ge [sflag:s18], $0x4000  }
0x6b: {  	s13 =	sshrl.u32 s9, $0x3;
	[sflag:s18] =	ssyncset.done $0x0  }
0x6c: {  	s7 =	sadd.s32 s5, s13;
	[sflag:s18] =	ssyncadd.s32 $0xFFFFC000  }
0x6d: {  	[tilespmem:s19], [sflag:$0x3] =	stream.linear.gather [hbm4b:s7+s4], $0x80, $0x38;
	[tilespmem:$0x1ED00] =	vst v63  }
0x6e: {  	s8 =	sadd.s32 $0x80, s8  }
0x6f: {  	[tilespmem:s20], [sflag:$0x1] =	stream.indirect.gather [hbm4b:s1+s28], $0x80, s8, s28, $0xb8;
	[tilespmem:$0x1ED00] =	vst v63  }
0x70: {  	_ =	swait.ge [sflag:s2], $0x4000  }
0x71: {  	[sflag:s2] =	ssyncset.done $0x0  }
0x72: {  	[sflag:s2] =	ssyncadd.s32 $0xFFFFC000  }
0x73: {  	_ =	swait.ge [sflag:s0], $0x80  }
0x74: {  	[sflag:s0] =	ssyncset.done $0x0  }
0x75: {  	[sflag:s0] =	ssyncadd.s32 $0xFFFFFF80  }
0x76: {  	[spmem:s3] =	stream.indirect.scatter.add.f32 [tilespmem:s29], [sflag:$0x7], $0x80, s26, s28, $0xb8;
	[tilespmem:$0x1ED00] =	vst v63  }
0x77: {  	_ =	swait.ge [sflag:s18], $0x4000  }
0x78: {  	[sflag:s18] =	ssyncset.done $0x0  }
0x79: {  	[sflag:s18] =	ssyncadd.s32 $0xFFFFC000  }
0x7a: {  	[tilespmem:s26], [sflag:$0x4] =	stream.linear.gather [hbm4b:s14+s4], $0x80, $0x38;
	[tilespmem:$0x1ED00] =	vst v63  }
0x7b: {  	s9 =	simm.s32 $0x2680  }
0x7c: {  	[tilespmem:s29], [sflag:$0x2] =	stream.indirect.gather [hbm4b:s1+s28], $0x80, s9, s28, $0xb8;
	[tilespmem:$0x1ED00] =	vst v63  }
0x7d: {  	_ =	swait.ge [sflag:s30], $0x4000  }
0x7e: {  	[sflag:s30] =	ssyncset.done $0x0  }
0x7f: {  	[sflag:s30] =	ssyncadd.s32 $0xFFFFC000  }
0x80: {  	_ =	swait.ge [sflag:s31], $0x80  }
0x81: {  	[sflag:s31] =	ssyncset.done $0x0  }
0x82: {  	[sflag:s31] =	ssyncadd.s32 $0xFFFFFF80  }
0x83: {  	[spmem:s3] =	stream.indirect.scatter.add.f32 [tilespmem:s20], [sflag:$0x7], $0x80, s19, s28, $0xb8;
	[tilespmem:$0x1ED00] =	vst v63  }
0x84: {  	_ =	swait.ge [sflag:s18], $0x4000  }
0x85: {  	[sflag:s18] =	ssyncset.done $0x0  }
0x86: {  	[sflag:s18] =	ssyncadd.s32 $0xFFFFC000  }
0x87: {  	_ =	swait.ge [sflag:s2], $0x4000  }
0x88: {  	[sflag:s2] =	ssyncset.done $0x0  }
0x89: {  	[sflag:s2] =	ssyncadd.s32 $0xFFFFC000  }
0x8a: {  	_ =	swait.ge [sflag:s0], $0x80  }
0x8b: {  	[sflag:s0] =	ssyncset.done $0x0  }
0x8c: {  	[sflag:s0] =	ssyncadd.s32 $0xFFFFFF80  }
0x8d: {  	[spmem:s3] =	stream.indirect.scatter.add.f32 [tilespmem:s29], [sflag:$0x7], $0x80, s26, s28, $0xb8;
	[tilespmem:$0x1ED00] =	vst v63  }
0x8e: {  	_ =	swait.ge [sflag:s18], $0x4000  }
0x8f: {  	[sflag:s18] =	ssyncset.done $0x0  }
0x90: {  	[sflag:s18] =	ssyncadd.s32 $0xFFFFC000  }
0x91: {  	_ =	swait.ge [sflag:s23], $0x10  }
0x92: {  	[sflag:s23] =	ssyncset.done $0x0  }
0x93: {  	[sflag:s23] =	ssyncadd.s32 $0xFFFFFFF0  }
0x94: {  	_ =	swait.ge [sflag:s23], $0x800  }
0x95: {  	[sflag:s23] =	ssyncset.done $0x0  }
0x96: {  	[sflag:s23] =	ssyncadd.s32 $0xFFFFF800  }
0x97: {  	[spmem:s3] =	stream.indirect.scatter.add.f32 [tilespmem:s24], [sflag:$0x7], $0x80, s21, s22, $0xb8;
	[tilespmem:$0x1ED00] =	vst v63  }
0x98: {  	_ =	swait.ge [sflag:s18], $0x800  }
0x99: {  	[sflag:s18] =	ssyncset.done $0x0  }
0x9a: {  	[sflag:s18] =	ssyncadd.s32 $0xFFFFF800  }
0x9b: {  	[bflag:$0x0] =	sbarrier.arrive $0xFFFF  }
0x9c: {  	s11 =	rddreg [dreg:$0x5]  }
0x9d: {  	s12 =	rddreg [dreg:$0x9];
	s7 =	sor.u32 $0x1C07, s11  }
0x9e: {  	[hbm:s12], [sflag:s7] =	dma.local [spmem:s17], $0x2780  }
0x9f: {  	_ =	swait.ge [sflag:s18], $0x2780  }
0xa0: {  	s6 =	sadd.s32 $0x1, s6;
	s13 =	rddreg [dreg:$0xa]  }
0xa1: {  	p0 =	sne.s32 s6, s13  }
.Ltmp1:
0xa2: {  	_ = 	snop;
	(pc) =	sbr.rel @p0 .LBB2_1-.Ltmp1, $3  }
0xa3: {  	_ =	sdelay $0x1  }
0xa4: {  	[sflag:s18] =	ssyncset.done $0x0  }
0xa5: {  	[sflag:s18] =	ssyncadd.s32 $0xFFFFD880  }
0xa6: {  	_ =	sfence.sel $0x180000  }
0xa7: {  	[bflag:$0x0] =	sbarrier.arrive $0xFFFF  }
0xa8: {  	_ =	strace $0x9000004A  }
0xa9: {  	s0 =	stileid.u32;
	[bflag:$0x2] =	sbarrier.arrive $0xFFFF  }
0xaa: {  	p0 =	sne.s32 s0, $0x0;
	s0 =	rddreg [dreg:$0x3]  }
0xab: {  	s0 =	sadd.s32 @!p0 $0x100000, s0  }
0xac: {  	[sflag:s0] =	ssyncadd.tile.s32 @!p0 $0x1;
	_ =	shalt  }
.Lfunc_end2:
_tile_overlayer_lowered:
.L_overlay_start_2:
0xad: {  	(tag) =	ssettag $0x2  }
0xae: {  	s0 =	rddreg [dreg:$0x0];
	s2 =	stileid.u32  }
0xaf: {  	s1 =	rddreg [dreg:$0x1];
	p0 =	sne.s32 s2, $0x0  }
0xb0: {  	s3 =	rddreg [dreg:$0x2];
	[bflag:$0x3] =	sbarrier.arrive $0xFFFF;
	s2 =	simm.s32 @!p0 $0x1C07  }
0xb1: {  	[timem:s3], [sflag:s2] =	dma.local @!p0 [hbm:s0], s1  }
0xb2: {  	s0 =	simm.s32 @!p0 $0x7  }
0xb3: {  	_ =	swait.ge @!p0 [sflag:s0], s1  }
0xb4: {  	s1 =	ssub.s32 @!p0 $0x0, s1;
	[sflag:s0] =	ssyncset.done @!p0 $0x0  }
0xb5: {  	[sflag:s0] =	ssyncadd.s32 @!p0 s1  }
0xb6: {  	[bflag:$0x3] =	sbarrier.arrive $0xFFFF  }
0xb7: {  	_ =	shalt  }

// kernel: kernel.14.cloned.1.call-start
scs
__scs_entry_jumppad:
0x0: {  	(pc) =	sbr.rel $0x88, $3  }
0x1: {  	(tag) =	ssettag $0x0;
	lr =	simm.s32 $0x1  }
0x2: {  	[smem:$0x3F96] =	sst lr;
	_ =	strace $0xD0000000  }
0x3: {  	_ = 	snop  }
0x4: {  	_ = 	snop  }
0x5: {  	_ = 	snop  }
0x6: {  	_ = 	snop  }
0x7: {  	_ = 	snop  }
__scs_overlays_trampoline_lowered:
0x8: {  	[smem:$0x3FA5] =	sst s0  }
0x9: {  	[smem:$0x3FA6] =	sst s1  }
0xa: {  	[smem:$0x3FA7] =	sst s2  }
0xb: {  	[smem:$0x3FA8] =	sst s3  }
0xc: {  	[smem:$0x3FA9] =	sst s4  }
0xd: {  	[smem:$0x3FAA] =	sst s5  }
0xe: {  	[smem:$0x3FAB] =	sst s6  }
0xf: {  	[smem:$0x3FAC] =	sst s7  }
0x10: {  	[smem:$0x3FAD] =	sst s8  }
0x11: {  	[smem:$0x3FAE] =	sst s9;
	s0 =	simm.s32 @!p0 $0x0  }
0x12: {  	s1 =	sld [smem:$0x3F94];
	s0 =	simm.s32 @p0 $0x1  }
0x13: {  	[smem:$0x3FAF] =	sst s0;
	s0 =	simm.s32 @!p1 $0x0  }
0x14: {  	s2 =	sld [smem:$0x3F93];
	s0 =	simm.s32 @p1 $0x1  }
0x15: {  	[smem:$0x3FB0] =	sst s0;
	s0 =	simm.s32 @!p2 $0x0  }
0x16: {  	s3 =	sld [smem:$0x3FDB];
	s0 =	simm.s32 @p2 $0x1  }
0x17: {  	s4 =	simm.s32 $0x1BF5;
	[smem:$0x3FB2] =	sst s0  }
0x18: {  	s0 =	sld [smem:$0x3F95];
	_ =	swait.ge [sflag:s4], $0x0  }
0x19: {  	s7 =	sld [smem:$0x3F96]  }
0x1a: {  	s8 =	sadd.s32 $0xFFFFE003, lr  }
0x1b: {  	s9 =	sadd.s32 $0xFFFFFEF7, lr;
	s5 =	simm.s32 $0xFFFFFFFF;
	p2 =	slt.u32 s8, $0xFFFFF086  }
0x1c: {  	p1 =	slt.u32 s9, $0xF7A;
	s5 =	simm.s32 @!p2 $0x0  }
0x1d: {  	s5 =	simm.s32 @p1 $0x1;
	p0 =	seq.s32 s7, s2  }
0x1e: {  	s7 =	smul.u32 @!p0 $0xF7A, s2;
	p2 =	seq.s32 @!p0 s5, $0x0  }
0x1f: {  	s9 =	smul.u32 $0xF7A, s1;
	s8 =	simm.s32 @!p0 $0x1BF5;
	p2 =	por !p2, p0  }
0x20: {  	[sflag:s8] =	ssyncset.s32 @!p0 $0xFFFFF086;
	s6 =	sadd.s32 @!p0 s3, s7;
	s7 =	simm.s32 @!p0 $0x108  }
0x21: {  	s3 =	sadd.s32 s3, s9;
	s6 =	sadd.s32 @!p0 $0x88, s6;
	s7 =	simm.s32 @p2 $0x1082  }
0x22: {  	[simem:s7], [sflag:s8] =	dma.local @!p0 [hbm:s6], $0xF7A  }
0x23: {  	s9 =	sor.u32 $0xD0000000, s2;
	s6 =	simm.s32 $0x108;
	_ =	swait.ge @!p0 [sflag:s8], $0x0  }
0x24: {  	s3 =	sadd.s32 $0x88, s3;
	s6 =	simm.s32 @!p1 $0x1082;
	[sflag:s4] =	ssyncset.s32 $0xFFFFF086  }
0x25: {  	[simem:s6], [sflag:s4] =	dma.local [hbm:s3], $0xF7A  }
0x26: {  	[smem:$0x3F96] =	sst s1;
	(tag) =	ssettag s2;
	_ =	strace s9  }
0x27: {  	s1 =	sld [smem:$0x3FA6]  }
0x28: {  	s2 =	sld [smem:$0x3FA7]  }
0x29: {  	s4 =	sld [smem:$0x3FA9]  }
0x2a: {  	p0 =	seq.s32 s5, $0x0;
	s5 =	sld [smem:$0x3FAA]  }
0x2b: {  	s6 =	sld [smem:$0x3FAB]  }
0x2c: {  	s7 =	sld [smem:$0x3FAC]  }
0x2d: {  	s3 =	simm.s32 $0x108;
	s8 =	sld [smem:$0x3FAD]  }
0x2e: {  	s3 =	simm.s32 @!p0 $0x1082;
	s9 =	sld [smem:$0x3FAE]  }
0x2f: {  	lr =	sadd.s32 s0, s3;
	s0 =	sld [smem:$0x3FA5]  }
0x30: {  	s3 =	sld [smem:$0x3FA8]  }
0x31: {  	[smem:$0x3FB1] =	sst s10  }
0x32: {  	s10 =	sld [smem:$0x3FAF];
	_ =	sdelay $0x3  }
0x33: {  	p0 =	seq.s32 s10, $0x1;
	s10 =	sld [smem:$0x3FB1];
	_ =	sdelay $0x3  }
0x34: {  	[smem:$0x3FB1] =	sst s10  }
0x35: {  	s10 =	sld [smem:$0x3FB0];
	_ =	sdelay $0x3  }
0x36: {  	p1 =	seq.s32 s10, $0x1;
	s10 =	sld [smem:$0x3FB1];
	_ =	sdelay $0x3  }
0x37: {  	[smem:$0x3FB1] =	sst s10  }
0x38: {  	s10 =	sld [smem:$0x3FB2]  }
0x39: {  	_ = 	snop;
	(pc) =	sbr.ind lr, $3  }
0x3a: {  	_ = 	snop  }
0x3b: {  	_ = 	snop  }
0x3c: {  	p2 =	seq.s32 s10, $0x1;
	s10 =	sld [smem:$0x3FB1]  }
0x3d: {  	_ =	shalt  }
0x3e: {  	_ =	shalt  }
0x3f: {  	_ =	shalt  }
0x40: {  	_ =	shalt  }
0x41: {  	_ =	shalt  }
0x42: {  	_ =	shalt  }
0x43: {  	_ =	shalt  }
0x44: {  	_ =	shalt  }
0x45: {  	_ =	shalt  }
0x46: {  	_ =	shalt  }
0x47: {  	_ =	shalt  }
0x48: {  	_ =	shalt  }
0x49: {  	_ =	shalt  }
0x4a: {  	_ =	shalt  }
0x4b: {  	_ =	shalt  }
0x4c: {  	_ =	shalt  }
0x4d: {  	_ =	shalt  }
0x4e: {  	_ =	shalt  }
0x4f: {  	_ =	shalt  }
0x50: {  	_ =	shalt  }
0x51: {  	_ =	shalt  }
0x52: {  	_ =	shalt  }
0x53: {  	_ =	shalt  }
0x54: {  	_ =	shalt  }
0x55: {  	_ =	shalt  }
0x56: {  	_ =	shalt  }
0x57: {  	_ =	shalt  }
0x58: {  	_ =	shalt  }
0x59: {  	_ =	shalt  }
0x5a: {  	_ =	shalt  }
0x5b: {  	_ =	shalt  }
0x5c: {  	_ =	shalt  }
0x5d: {  	_ =	shalt  }
0x5e: {  	_ =	shalt  }
0x5f: {  	_ =	shalt  }
0x60: {  	_ =	shalt  }
0x61: {  	_ =	shalt  }
0x62: {  	_ =	shalt  }
0x63: {  	_ =	shalt  }
0x64: {  	_ =	shalt  }
0x65: {  	_ =	shalt  }
0x66: {  	_ =	shalt  }
0x67: {  	_ =	shalt  }
0x68: {  	_ =	shalt  }
0x69: {  	_ =	shalt  }
0x6a: {  	_ =	shalt  }
0x6b: {  	_ =	shalt  }
0x6c: {  	_ =	shalt  }
0x6d: {  	_ =	shalt  }
0x6e: {  	_ =	shalt  }
0x6f: {  	_ =	shalt  }
0x70: {  	_ =	shalt  }
0x71: {  	_ =	shalt  }
0x72: {  	_ =	shalt  }
0x73: {  	_ =	shalt  }
0x74: {  	_ =	shalt  }
0x75: {  	_ =	shalt  }
0x76: {  	_ =	shalt  }
0x77: {  	_ =	shalt  }
0x78: {  	_ =	shalt  }
0x79: {  	_ =	shalt  }
0x7a: {  	_ =	shalt  }
0x7b: {  	_ =	shalt  }
0x7c: {  	_ =	shalt  }
0x7d: {  	_ =	shalt  }
0x7e: {  	_ =	shalt  }
0x7f: {  	_ =	shalt  }
0x80: {  	_ =	shalt  }
0x81: {  	_ =	shalt  }
0x82: {  	_ =	shalt  }
0x83: {  	_ =	shalt  }
0x84: {  	_ =	shalt  }
0x85: {  	_ =	shalt  }
0x86: {  	_ =	shalt  }
0x87: {  	_ =	shalt  }
.Lfunc_end0:
.L_simem_size_0:
called_computation.2_lowered:
.L_overlay_start_0:
0x88: {  	s2 =	sld [smem:$0x3FD9]  }
0x89: {  	s3 =	sld [smem:$0x3FFE];
	_ =	sdelay $0x1  }
0x8a: {  	s1 =	srdreg.scid  }
0x8b: {  	s0 =	sand.u32 $0x1, s1  }
0x8c: {  	s17 =	sshll.u32 s0, $0xA;
	s2 =	sadd.s32 s3, s2  }
0x8d: {  	s2 =	sadd.s32 s2, s17  }
0x8e: {  	[smem:$0x3FBD] =	sst s2  }
0x8f: {  	_ = 	snop  }
0x90: {  	s2 =	sld [smem:$0x3FD0];
	(tm) =	ssettm $0x1  }
0x91: {  	s18 =	sld [smem:$0x3FFB];
	_ =	sdelay $0x3  }
0x92: {  	_ =	strace s18  }
0x93: {  	s3 =	sld [smem:$0x3FFC];
	_ =	sdelay $0x3  }
0x94: {  	_ =	strace s3  }
0x95: {  	s3 =	sld [smem:$0x3FFD];
	_ =	sdelay $0x3  }
0x96: {  	_ =	strace s3  }
0x97: {  	_ =	strace $0x8FFFFFFF  }
0x98: {  	s19 =	sld [smem:$0x3FDB];
	_ =	sdelay $0x1  }
0x99: {  	s4 =	simm.s32 $_scs_section_size  }
0x9a: {  	s5 =	simm.s32 $_size__tile_overlayer_lowered;
	s6 =	simm.s32 $_tile_overlayer_lowered  }
0x9b: {  	s22 =	simm.s32 $0x1BFF;
	s21 =	sshll.u32 s6, $0x1;
	s3 =	sadd.s32 s4, s19  }
0x9c: {  	s7 =	simm.s32 $0x0;
	s20 =	sshll.u32 s5, $0x1;
	s5 =	sadd.s32 s21, s3  }
0x9d: {  	[timem:s7], [sflag:s22] =	dma.local [hbm:s5], s20  }
0x9e: {  	_ =	swait.ge [sflag:s22], s20  }
0x9f: {  	s4 =	ssub.s32 $0x0, s20;
	[sflag:s22] =	ssyncset.done $0x0  }
0xa0: {  	[sflag:s22] =	ssyncadd.s32 s4;
	_ =	sdelay $0x1  }
0xa1: {  	s23 =	simm.s32 $0x1B8B  }
0xa2: {  	_ =	swait.ge [sflag:s23], $0x1  }
0xa3: {  	[sflag:s23] =	ssyncset.done $0x0  }
0xa4: {  	s25 =	simm.s32 $0x1B8E;
	s24 =	sld [smem:$0x3FFE];
	[sflag:s23] =	ssyncadd.s32 $0xFFFFFFFF  }
0xa5: {  	s26 =	simm.s32 $execute0_lowered;
	[smem:$0x3FD2] =	sst s25  }
0xa6: {  	s5 =	sshll.u32 s26, $0x1;
	_ =	strace $0x8000004C;
	[dreg:$0x1] =	wrdreg $0xFFFFFFFF  }
0xa7: {  	s28 =	simm.s32 $_size_execute0_lowered;
	s3 =	sadd.s32 s3, s5;
	[dreg:$0x0] =	wrdreg $0x0  }
0xa8: {  	s5 =	sshll.u32 s28, $0x1;
	[dreg:$0x2] =	wrdreg s3  }
0xa9: {  	[dreg:$0x3] =	wrdreg s5  }
0xaa: {  	[dreg:$0x4] =	wrdreg $0xC0  }
0xab: {  	_ =	task [dreg:s7], $0x5FFFF  }
0xac: {  	[dreg:$0x1] =	wrdreg $0xFFFFFFFF  }
0xad: {  	[dreg:$0x0] =	wrdreg $0x60  }
0xae: {  	[dreg:$0x2] =	wrdreg s2  }
0xaf: {  	[dreg:$0x3] =	wrdreg s24  }
0xb0: {  	[dreg:$0x4] =	wrdreg $0xB1000  }
0xb1: {  	[dreg:$0x5] =	wrdreg $0x9  }
0xb2: {  	_ =	task.clear_ibuf [dreg:s7], $0x6FFFF;
	_ =	strace $0x9000004C  }
0xb3: {  	s29 =	simm.s32 $0x9;
	_ =	strace $0x8000004E  }
0xb4: {  	_ =	swait.ge [sflag:s29], $0x1  }
0xb5: {  	[sflag:s29] =	ssyncadd.s32 $0xFFFFFFFF  }
0xb6: {  	_ =	strace $0x9000004E  }
0xb7: {  	_ =	sfence  }
0xb8: {  	s30 =	sld [smem:$0x0];
	_ =	sdelay $0x2  }
0xb9: {  	s31 =	sshll.u32 s1, $0xD;
	s1 =	sshrl.u32 s1, $0x2  }
0xba: {  	s3 =	sand.u32 $0x4000, s31;
	s1 =	sadd.s32 s1, s30  }
0xbb: {  	s0 =	sor.u32 s3, s0;
	s1 =	sshll.u32 s1, $0x11  }
0xbc: {  	s0 =	sor.u32 s1, s0  }
0xbd: {  	s0 =	sadd.s32 $0x8F2B, s0  }
0xbe: {  	[sflag:s0] =	ssyncadd.remote.s32 $0x1  }
0xbf: {  	_ =	sfence.sel $0xFFFF  }
0xc0: {  	[dreg:$0x0] =	wrdreg $0xFFFFFFFF;
	(pc) =	sbr.abs _section_cstart, $3  }
0xc1: {  	[dreg:$0x1] =	wrdreg $0xFFFFFFFF  }
0xc2: {  	_ =	task.clear_ibuf [dreg:s7], $0x2FFFF;
	_ =	strace $0x9FFFFFFF  }
0xc3: {  	(tm) =	ssettm $0x7FFFFFFF  }
tec
execute0_lowered:
.L_overlay_start_1:
0x0: {  	(tag) =	ssettag $0x1  }
0x1: {  	s1 =	rddreg [dreg:$0x0]  }
0x2: {  	s0 =	srdreg.scid;
	s2 =	rddreg [dreg:$0x1]  }
0x3: {  	s12 =	stileid.u32;
	s3 =	rddreg [dreg:$0x2]  }
0x4: {  	s18 =	simm.s32 $0x7;
	s19 =	simm.s32 $0x2780;
	s20 =	simm.s32 $0x2900  }
0x5: {  	s28 =	simm.s32 $0x80;
	s29 =	simm.s32 $0x6900;
	s30 =	simm.s32 $0x1  }
0x6: {  	s31 =	simm.s32 $0x3;
	s0 =	sand.u32 $0x1, s0;
	s6 =	smul.u32 $0x2780, s12  }
0x7: {  	s4 =	sshll.u32 s12, $0x1;
	s10 =	sadd.s32 $0x16C00, s2;
	s22 =	smul.u32 $0x4F000, s12  }
0x8: {  	s11 =	smul.u32 $0x4E20, s12;
	s12 =	sshll.u32 s12, $0x6;
	s5 =	sor.u32 s0, s4  }
0x9: {  	s4 =	simm.s32 $0x0;
	s8 =	smul.u32 $0x27800, s0;
	s21 =	ssub.s32 $0x2, s0  }
0xa: {  	s0 =	smul.u32 $0x2710, s0;
	s25 =	sor.u32 $0x1C05, s12;
	[smem:$0x7FF] =	sst s4  }
0xb: {  	s5 =	smul.u32 $0x2710, s5;
	_ =	strace $0x8000004D;
	[dreg:$0x4] =	wrdreg s10  }
0xc: {  	s23 =	sshrl.u32 s21, $0x1;
	s6 =	sadd.s32 s6, s8;
	[dreg:$0x5] =	wrdreg s12  }
0xd: {  	s10 =	sshrl.u32 s22, $0x2;
	[dreg:$0x6] =	wrdreg s25;
	s0 =	sadd.s32 s0, s11  }
0xe: {  	s22 =	simm.s32 $0x10;
	s25 =	simm.s32 $0x5;
	s7 =	sshrl.u32 s5, $0x3  }
0xf: {  	s5 =	sadd.s32 $0x3000, s2;
	s24 =	sadd.s32 s10, s3;
	s26 =	sadd.s32 $0x80, s0  }
0x10: {  	s16 =	sadd.s32 $0x100, s0;
	s0 =	simm.s32 $0x4;
	s9 =	sadd.s32 s7, s2  }
0x11: {  	s2 =	sadd.s32 s6, s2;
	s6 =	ssub.s32 s21, s23;
	s10 =	sadd.s32 s5, s7  }
0x12: {  	s17 =	sshrl.u32 s24, $0x3;
	s21 =	simm.s32 $0x2880;
	s9 =	sadd.s32 $0xCE00, s9  }
0x13: {  	s24 =	simm.s32 $0xA900;
	s7 =	sadd.s32 $0x4E0, s10;
	[dreg:$0x7] =	wrdreg s9  }
0x14: {  	s23 =	simm.s32 $0x6;
	s2 =	sadd.s32 $0x19400, s2;
	[dreg:$0x8] =	wrdreg s7  }
0x15: {  	s6 =	smax.u32 s6, $0x1;
	s14 =	sadd.s32 $0x4D0, s10;
	[dreg:$0x9] =	wrdreg s2  }
0x16: {  	[dreg:$0xa] =	wrdreg s6;
	s2 =	sshrl.u32 s26, $0x3;
	s26 =	simm.s32 $0x2800  }
0x17: {  	s6 =	simm.s32 $0x0;
	s15 =	sadd.s32 s2, s5;
	s2 =	simm.s32 $0x2  }
.LBB2_1:
0x18: {  	s7 =	rddreg [dreg:$0x4]  }
0x19: {  	s8 =	rddreg [dreg:$0x6]  }
0x1a: {  	[spmem:s17], [sflag:s8] =	dma.local [hbm:s7], $0x2780  }
0x1b: {  	s7 =	rddreg [dreg:$0x7]  }
0x1c: {  	[tilespmem:s4], [sflag:$0x7] =	stream.linear.gather [hbm4b:s7+s4], $0x2710, $0x38;
	[tilespmem:$0x1ED00] =	vst v63  }
0x1d: {  	_ =	swait.ge [sflag:s18], $0x2710  }
0x1e: {  	[sflag:s18] =	ssyncset.done $0x0  }
0x1f: {  	[sflag:s18] =	ssyncadd.s32 $0xFFFFD8F0  }
0x20: {  	[tilespmem:s19], [sflag:$0x3] =	stream.linear.gather [hbm4b:s10+s4], $0x80, $0x38;
	[tilespmem:$0x1ED00] =	vst v63  }
0x21: {  	_ = 	snop  }
0x22: {  	[tilespmem:s20], [sflag:$0x1] =	stream.indirect.gather [hbm4b:s1+s28], $0x80, s4, s28, $0xb8;
	[tilespmem:$0x1ED00] =	vst v63  }
0x23: {  	s8 =	rddreg [dreg:$0x8]  }
0x24: {  	[tilespmem:s21], [sflag:$0x6] =	stream.linear.gather [hbm4b:s8+s4], $0x10, $0x38;
	[tilespmem:$0x1ED00] =	vst v63  }
0x25: {  	s9 =	simm.s32 $0x2700  }
0x26: {  	[tilespmem:s24], [sflag:$0x6] =	stream.indirect.gather [hbm4b:s1+s22], $0x80, s9, s22, $0xb8;
	[tilespmem:$0x1ED00] =	vst v63  }
0x27: {  	_ =	swait.ge [sflag:s25], $0x2780  }
0x28: {  	[sflag:s25] =	ssyncset.done $0x0  }
0x29: {  	[sflag:s25] =	ssyncadd.s32 $0xFFFFD880  }
0x2a: {  	s11 =	sadd.s32 $0x0, s15;
	[bflag:$0x0] =	sbarrier.arrive $0xFFFF  }
0x2b: {  	[tilespmem:s26], [sflag:$0x4] =	stream.linear.gather [hbm4b:s11+s4], $0x80, $0x38;
	[tilespmem:$0x1ED00] =	vst v63  }
0x2c: {  	_ = 	snop  }
0x2d: {  	[tilespmem:s29], [sflag:$0x2] =	stream.indirect.gather [hbm4b:s1+s28], $0x80, s28, s28, $0xb8;
	[tilespmem:$0x1ED00] =	vst v63  }
0x2e: {  	_ =	swait.ge [sflag:s30], $0x4000  }
0x2f: {  	[sflag:s30] =	ssyncset.done $0x0  }
0x30: {  	[sflag:s30] =	ssyncadd.s32 $0xFFFFC000  }
0x31: {  	_ =	swait.ge [sflag:s31], $0x80  }
0x32: {  	[sflag:s31] =	ssyncset.done $0x0  }
0x33: {  	[sflag:s31] =	ssyncadd.s32 $0xFFFFFF80  }
0x34: {  	[spmem:s3] =	stream.indirect.scatter.add.f32 [tilespmem:s20], [sflag:$0x7], $0x80, s19, s28, $0xb8;
	[tilespmem:$0x1ED00] =	vst v63  }
0x35: {  	_ =	swait.ge [sflag:s18], $0x4000  }
0x36: {  	s12 =	sshrl.u32 s16, $0x3;
	[sflag:s18] =	ssyncset.done $0x0  }
0x37: {  	s7 =	sadd.s32 s5, s12;
	[sflag:s18] =	ssyncadd.s32 $0xFFFFC000  }
0x38: {  	[tilespmem:s19], [sflag:$0x3] =	stream.linear.gather [hbm4b:s7+s4], $0x80, $0x38;
	[tilespmem:$0x1ED00] =	vst v63  }
0x39: {  	s13 =	simm.s32 $0x100  }
0x3a: {  	[tilespmem:s20], [sflag:$0x1] =	stream.indirect.gather [hbm4b:s1+s28], $0x80, s13, s28, $0xb8;
	[tilespmem:$0x1ED00] =	vst v63  }
0x3b: {  	_ =	swait.ge [sflag:s2], $0x4000  }
0x3c: {  	[sflag:s2] =	ssyncset.done $0x0  }
0x3d: {  	[sflag:s2] =	ssyncadd.s32 $0xFFFFC000  }
0x3e: {  	_ =	swait.ge [sflag:s0], $0x80  }
0x3f: {  	[sflag:s0] =	ssyncset.done $0x0  }
0x40: {  	[sflag:s0] =	ssyncadd.s32 $0xFFFFFF80  }
0x41: {  	[spmem:s3] =	stream.indirect.scatter.add.f32 [tilespmem:s29], [sflag:$0x7], $0x80, s26, s28, $0xb8;
	[tilespmem:$0x1ED00] =	vst v63  }
0x42: {  	s8 =	simm.s32 $0x180;
	s9 =	sadd.s32 $0x100, s16;
	_ =	swait.ge [sflag:s18], $0x4000  }
0x43: {  	s11 =	simm.s32 $0x40;
	s7 =	simm.s32 $0x20;
	[sflag:s18] =	ssyncset.done $0x0  }
.LBB2_2:
0x44: {  	s12 =	sadd.s32 s7, s15  }
0x45: {  	[sflag:s18] =	ssyncadd.s32 $0xFFFFC000;
	s7 =	smov.u32 s11;
	s13 =	sadd.s32 $0x20, s11  }
0x46: {  	[tilespmem:s26], [sflag:$0x4] =	stream.linear.gather [hbm4b:s12+s4], $0x80, $0x38;
	[tilespmem:$0x1ED00] =	vst v63  }
0x47: {  	p0 =	sne.s32 s11, $0x4A0  }
0x48: {  	[tilespmem:s29], [sflag:$0x2] =	stream.indirect.gather [hbm4b:s1+s28], $0x80, s8, s28, $0xb8;
	[tilespmem:$0x1ED00] =	vst v63  }
0x49: {  	_ =	swait.ge [sflag:s30], $0x4000  }
0x4a: {  	[sflag:s30] =	ssyncset.done $0x0  }
0x4b: {  	[sflag:s30] =	ssyncadd.s32 $0xFFFFC000  }
0x4c: {  	_ =	swait.ge [sflag:s31], $0x80  }
0x4d: {  	[sflag:s31] =	ssyncset.done $0x0  }
0x4e: {  	[sflag:s31] =	ssyncadd.s32 $0xFFFFFF80  }
0x4f: {  	[spmem:s3] =	stream.indirect.scatter.add.f32 [tilespmem:s20], [sflag:$0x7], $0x80, s19, s28, $0xb8;
	[tilespmem:$0x1ED00] =	vst v63  }
0x50: {  	_ =	swait.ge [sflag:s18], $0x4000  }
0x51: {  	s11 =	sshrl.u32 s9, $0x3;
	[sflag:s18] =	ssyncset.done $0x0  }
0x52: {  	s11 =	sadd.s32 s5, s11;
	[sflag:s18] =	ssyncadd.s32 $0xFFFFC000  }
0x53: {  	[tilespmem:s19], [sflag:$0x3] =	stream.linear.gather [hbm4b:s11+s4], $0x80, $0x38;
	[tilespmem:$0x1ED00] =	vst v63  }
0x54: {  	s11 =	sadd.s32 $0x80, s8  }
0x55: {  	[tilespmem:s20], [sflag:$0x1] =	stream.indirect.gather [hbm4b:s1+s28], $0x80, s11, s28, $0xb8;
	[tilespmem:$0x1ED00] =	vst v63  }
0x56: {  	_ =	swait.ge [sflag:s2], $0x4000  }
0x57: {  	[sflag:s2] =	ssyncset.done $0x0  }
0x58: {  	[sflag:s2] =	ssyncadd.s32 $0xFFFFC000  }
0x59: {  	_ =	swait.ge [sflag:s0], $0x80  }
.Ltmp0:
0x5a: {  	[sflag:s0] =	ssyncset.done $0x0;
	(pc) =	sbr.rel @p0 .LBB2_2-.Ltmp0, $4  }
0x5b: {  	[sflag:s0] =	ssyncadd.s32 $0xFFFFFF80  }
0x5c: {  	[spmem:s3] =	stream.indirect.scatter.add.f32 [tilespmem:s29], [sflag:$0x7], $0x80, s26, s28, $0xb8;
	[tilespmem:$0x1ED00] =	vst v63  }
0x5d: {  	s9 =	sadd.s32 $0x100, s9;
	_ =	swait.ge [sflag:s18], $0x4000  }
0x5e: {  	s8 =	sadd.s32 $0x100, s8;
	s11 =	smov.u32 s13;
	[sflag:s18] =	ssyncset.done $0x0  }
0x5f: {  	s7 =	sadd.s32 s7, s15;
	[sflag:s18] =	ssyncadd.s32 $0xFFFFC000  }
0x60: {  	[tilespmem:s26], [sflag:$0x4] =	stream.linear.gather [hbm4b:s7+s4], $0x80, $0x38;
	[tilespmem:$0x1ED00] =	vst v63  }
0x61: {  	_ = 	snop  }
0x62: {  	[tilespmem:s29], [sflag:$0x2] =	stream.indirect.gather [hbm4b:s1+s28], $0x80, s8, s28, $0xb8;
	[tilespmem:$0x1ED00] =	vst v63  }
0x63: {  	_ =	swait.ge [sflag:s30], $0x4000  }
0x64: {  	[sflag:s30] =	ssyncset.done $0x0  }
0x65: {  	[sflag:s30] =	ssyncadd.s32 $0xFFFFC000  }
0x66: {  	_ =	swait.ge [sflag:s31], $0x80  }
0x67: {  	[sflag:s31] =	ssyncset.done $0x0  }
0x68: {  	[sflag:s31] =	ssyncadd.s32 $0xFFFFFF80  }
0x69: {  	[spmem:s3] =	stream.indirect.scatter.add.f32 [tilespmem:s20], [sflag:$0x7], $0x80, s19, s28, $0xb8;
	[tilespmem:$0x1ED00] =	vst v63  }
0x6a: {  	_ =	swait.ge [sflag:s18], $0x4000  }
0x6b: {  	s13 =	sshrl.u32 s9, $0x3;
	[sflag:s18] =	ssyncset.done $0x0  }
0x6c: {  	s7 =	sadd.s32 s5, s13;
	[sflag:s18] =	ssyncadd.s32 $0xFFFFC000  }
0x6d: {  	[tilespmem:s19], [sflag:$0x3] =	stream.linear.gather [hbm4b:s7+s4], $0x80, $0x38;
	[tilespmem:$0x1ED00] =	vst v63  }
0x6e: {  	s8 =	sadd.s32 $0x80, s8  }
0x6f: {  	[tilespmem:s20], [sflag:$0x1] =	stream.indirect.gather [hbm4b:s1+s28], $0x80, s8, s28, $0xb8;
	[tilespmem:$0x1ED00] =	vst v63  }
0x70: {  	_ =	swait.ge [sflag:s2], $0x4000  }
0x71: {  	[sflag:s2] =	ssyncset.done $0x0  }
0x72: {  	[sflag:s2] =	ssyncadd.s32 $0xFFFFC000  }
0x73: {  	_ =	swait.ge [sflag:s0], $0x80  }
0x74: {  	[sflag:s0] =	ssyncset.done $0x0  }
0x75: {  	[sflag:s0] =	ssyncadd.s32 $0xFFFFFF80  }
0x76: {  	[spmem:s3] =	stream.indirect.scatter.add.f32 [tilespmem:s29], [sflag:$0x7], $0x80, s26, s28, $0xb8;
	[tilespmem:$0x1ED00] =	vst v63  }
0x77: {  	_ =	swait.ge [sflag:s18], $0x4000  }
0x78: {  	[sflag:s18] =	ssyncset.done $0x0  }
0x79: {  	[sflag:s18] =	ssyncadd.s32 $0xFFFFC000  }
0x7a: {  	[tilespmem:s26], [sflag:$0x4] =	stream.linear.gather [hbm4b:s14+s4], $0x80, $0x38;
	[tilespmem:$0x1ED00] =	vst v63  }
0x7b: {  	s9 =	simm.s32 $0x2680  }
0x7c: {  	[tilespmem:s29], [sflag:$0x2] =	stream.indirect.gather [hbm4b:s1+s28], $0x80, s9, s28, $0xb8;
	[tilespmem:$0x1ED00] =	vst v63  }
0x7d: {  	_ =	swait.ge [sflag:s30], $0x4000  }
0x7e: {  	[sflag:s30] =	ssyncset.done $0x0  }
0x7f: {  	[sflag:s30] =	ssyncadd.s32 $0xFFFFC000  }
0x80: {  	_ =	swait.ge [sflag:s31], $0x80  }
0x81: {  	[sflag:s31] =	ssyncset.done $0x0  }
0x82: {  	[sflag:s31] =	ssyncadd.s32 $0xFFFFFF80  }
0x83: {  	[spmem:s3] =	stream.indirect.scatter.add.f32 [tilespmem:s20], [sflag:$0x7], $0x80, s19, s28, $0xb8;
	[tilespmem:$0x1ED00] =	vst v63  }
0x84: {  	_ =	swait.ge [sflag:s18], $0x4000  }
0x85: {  	[sflag:s18] =	ssyncset.done $0x0  }
0x86: {  	[sflag:s18] =	ssyncadd.s32 $0xFFFFC000  }
0x87: {  	_ =	swait.ge [sflag:s2], $0x4000  }
0x88: {  	[sflag:s2] =	ssyncset.done $0x0  }
0x89: {  	[sflag:s2] =	ssyncadd.s32 $0xFFFFC000  }
0x8a: {  	_ =	swait.ge [sflag:s0], $0x80  }
0x8b: {  	[sflag:s0] =	ssyncset.done $0x0  }
0x8c: {  	[sflag:s0] =	ssyncadd.s32 $0xFFFFFF80  }
0x8d: {  	[spmem:s3] =	stream.indirect.scatter.add.f32 [tilespmem:s29], [sflag:$0x7], $0x80, s26, s28, $0xb8;
	[tilespmem:$0x1ED00] =	vst v63  }
0x8e: {  	_ =	swait.ge [sflag:s18], $0x4000  }
0x8f: {  	[sflag:s18] =	ssyncset.done $0x0  }
0x90: {  	[sflag:s18] =	ssyncadd.s32 $0xFFFFC000  }
0x91: {  	_ =	swait.ge [sflag:s23], $0x10  }
0x92: {  	[sflag:s23] =	ssyncset.done $0x0  }
0x93: {  	[sflag:s23] =	ssyncadd.s32 $0xFFFFFFF0  }
0x94: {  	_ =	swait.ge [sflag:s23], $0x800  }
0x95: {  	[sflag:s23] =	ssyncset.done $0x0  }
0x96: {  	[sflag:s23] =	ssyncadd.s32 $0xFFFFF800  }
0x97: {  	[spmem:s3] =	stream.indirect.scatter.add.f32 [tilespmem:s24], [sflag:$0x7], $0x80, s21, s22, $0xb8;
	[tilespmem:$0x1ED00] =	vst v63  }
0x98: {  	_ =	swait.ge [sflag:s18], $0x800  }
0x99: {  	[sflag:s18] =	ssyncset.done $0x0  }
0x9a: {  	[sflag:s18] =	ssyncadd.s32 $0xFFFFF800  }
0x9b: {  	[bflag:$0x0] =	sbarrier.arrive $0xFFFF  }
0x9c: {  	s11 =	rddreg [dreg:$0x5]  }
0x9d: {  	s12 =	rddreg [dreg:$0x9];
	s7 =	sor.u32 $0x1C07, s11  }
0x9e: {  	[hbm:s12], [sflag:s7] =	dma.local [spmem:s17], $0x2780  }
0x9f: {  	_ =	swait.ge [sflag:s18], $0x2780  }
0xa0: {  	s6 =	sadd.s32 $0x1, s6;
	s13 =	rddreg [dreg:$0xa]  }
0xa1: {  	p0 =	sne.s32 s6, s13  }
.Ltmp1:
0xa2: {  	_ = 	snop;
	(pc) =	sbr.rel @p0 .LBB2_1-.Ltmp1, $3  }
0xa3: {  	_ =	sdelay $0x1  }
0xa4: {  	[sflag:s18] =	ssyncset.done $0x0  }
0xa5: {  	[sflag:s18] =	ssyncadd.s32 $0xFFFFD880  }
0xa6: {  	_ =	sfence.sel $0x180000  }
0xa7: {  	[bflag:$0x0] =	sbarrier.arrive $0xFFFF  }
0xa8: {  	_ =	strace $0x9000004D  }
0xa9: {  	s0 =	stileid.u32;
	[bflag:$0x2] =	sbarrier.arrive $0xFFFF  }
0xaa: {  	p0 =	sne.s32 s0, $0x0;
	s0 =	rddreg [dreg:$0x3]  }
0xab: {  	s0 =	sadd.s32 @!p0 $0x100000, s0  }
0xac: {  	[sflag:s0] =	ssyncadd.tile.s32 @!p0 $0x1;
	_ =	shalt  }
.Lfunc_end2:
_tile_overlayer_lowered:
.L_overlay_start_2:
0xad: {  	(tag) =	ssettag $0x2  }
0xae: {  	s0 =	rddreg [dreg:$0x0];
	s2 =	stileid.u32  }
0xaf: {  	s1 =	rddreg [dreg:$0x1];
	p0 =	sne.s32 s2, $0x0  }
0xb0: {  	s3 =	rddreg [dreg:$0x2];
	[bflag:$0x3] =	sbarrier.arrive $0xFFFF;
	s2 =	simm.s32 @!p0 $0x1C07  }
0xb1: {  	[timem:s3], [sflag:s2] =	dma.local @!p0 [hbm:s0], s1  }
0xb2: {  	s0 =	simm.s32 @!p0 $0x7  }
0xb3: {  	_ =	swait.ge @!p0 [sflag:s0], s1  }
0xb4: {  	s1 =	ssub.s32 @!p0 $0x0, s1;
	[sflag:s0] =	ssyncset.done @!p0 $0x0  }
0xb5: {  	[sflag:s0] =	ssyncadd.s32 @!p0 s1  }
0xb6: {  	[bflag:$0x3] =	sbarrier.arrive $0xFFFF  }
0xb7: {  	_ =	shalt  }

// kernel: kernel.8.cloned.1.call-start
scs
__scs_entry_jumppad:
0x0: {  	(pc) =	sbr.rel $0x88, $3  }
0x1: {  	(tag) =	ssettag $0x0;
	lr =	simm.s32 $0x1  }
0x2: {  	[smem:$0x3F96] =	sst lr;
	_ =	strace $0xD0000000  }
0x3: {  	_ = 	snop  }
0x4: {  	_ = 	snop  }
0x5: {  	_ = 	snop  }
0x6: {  	_ = 	snop  }
0x7: {  	_ = 	snop  }
__scs_overlays_trampoline_lowered:
0x8: {  	[smem:$0x3FA5] =	sst s0  }
0x9: {  	[smem:$0x3FA6] =	sst s1  }
0xa: {  	[smem:$0x3FA7] =	sst s2  }
0xb: {  	[smem:$0x3FA8] =	sst s3  }
0xc: {  	[smem:$0x3FA9] =	sst s4  }
0xd: {  	[smem:$0x3FAA] =	sst s5  }
0xe: {  	[smem:$0x3FAB] =	sst s6  }
0xf: {  	[smem:$0x3FAC] =	sst s7  }
0x10: {  	[smem:$0x3FAD] =	sst s8  }
0x11: {  	[smem:$0x3FAE] =	sst s9;
	s0 =	simm.s32 @!p0 $0x0  }
0x12: {  	s1 =	sld [smem:$0x3F94];
	s0 =	simm.s32 @p0 $0x1  }
0x13: {  	[smem:$0x3FAF] =	sst s0;
	s0 =	simm.s32 @!p1 $0x0  }
0x14: {  	s2 =	sld [smem:$0x3F93];
	s0 =	simm.s32 @p1 $0x1  }
0x15: {  	[smem:$0x3FB0] =	sst s0;
	s0 =	simm.s32 @!p2 $0x0  }
0x16: {  	s3 =	sld [smem:$0x3FDB];
	s0 =	simm.s32 @p2 $0x1  }
0x17: {  	s4 =	simm.s32 $0x1BF5;
	[smem:$0x3FB2] =	sst s0  }
0x18: {  	s0 =	sld [smem:$0x3F95];
	_ =	swait.ge [sflag:s4], $0x0  }
0x19: {  	s7 =	sld [smem:$0x3F96]  }
0x1a: {  	s8 =	sadd.s32 $0xFFFFE003, lr  }
0x1b: {  	s9 =	sadd.s32 $0xFFFFFEF7, lr;
	s5 =	simm.s32 $0xFFFFFFFF;
	p2 =	slt.u32 s8, $0xFFFFF086  }
0x1c: {  	p1 =	slt.u32 s9, $0xF7A;
	s5 =	simm.s32 @!p2 $0x0  }
0x1d: {  	s5 =	simm.s32 @p1 $0x1;
	p0 =	seq.s32 s7, s2  }
0x1e: {  	s7 =	smul.u32 @!p0 $0xF7A, s2;
	p2 =	seq.s32 @!p0 s5, $0x0  }
0x1f: {  	s9 =	smul.u32 $0xF7A, s1;
	s8 =	simm.s32 @!p0 $0x1BF5;
	p2 =	por !p2, p0  }
0x20: {  	[sflag:s8] =	ssyncset.s32 @!p0 $0xFFFFF086;
	s6 =	sadd.s32 @!p0 s3, s7;
	s7 =	simm.s32 @!p0 $0x108  }
0x21: {  	s3 =	sadd.s32 s3, s9;
	s6 =	sadd.s32 @!p0 $0x88, s6;
	s7 =	simm.s32 @p2 $0x1082  }
0x22: {  	[simem:s7], [sflag:s8] =	dma.local @!p0 [hbm:s6], $0xF7A  }
0x23: {  	s9 =	sor.u32 $0xD0000000, s2;
	s6 =	simm.s32 $0x108;
	_ =	swait.ge @!p0 [sflag:s8], $0x0  }
0x24: {  	s3 =	sadd.s32 $0x88, s3;
	s6 =	simm.s32 @!p1 $0x1082;
	[sflag:s4] =	ssyncset.s32 $0xFFFFF086  }
0x25: {  	[simem:s6], [sflag:s4] =	dma.local [hbm:s3], $0xF7A  }
0x26: {  	[smem:$0x3F96] =	sst s1;
	(tag) =	ssettag s2;
	_ =	strace s9  }
0x27: {  	s1 =	sld [smem:$0x3FA6]  }
0x28: {  	s2 =	sld [smem:$0x3FA7]  }
0x29: {  	s4 =	sld [smem:$0x3FA9]  }
0x2a: {  	p0 =	seq.s32 s5, $0x0;
	s5 =	sld [smem:$0x3FAA]  }
0x2b: {  	s6 =	sld [smem:$0x3FAB]  }
0x2c: {  	s7 =	sld [smem:$0x3FAC]  }
0x2d: {  	s3 =	simm.s32 $0x108;
	s8 =	sld [smem:$0x3FAD]  }
0x2e: {  	s3 =	simm.s32 @!p0 $0x1082;
	s9 =	sld [smem:$0x3FAE]  }
0x2f: {  	lr =	sadd.s32 s0, s3;
	s0 =	sld [smem:$0x3FA5]  }
0x30: {  	s3 =	sld [smem:$0x3FA8]  }
0x31: {  	[smem:$0x3FB1] =	sst s10  }
0x32: {  	s10 =	sld [smem:$0x3FAF];
	_ =	sdelay $0x3  }
0x33: {  	p0 =	seq.s32 s10, $0x1;
	s10 =	sld [smem:$0x3FB1];
	_ =	sdelay $0x3  }
0x34: {  	[smem:$0x3FB1] =	sst s10  }
0x35: {  	s10 =	sld [smem:$0x3FB0];
	_ =	sdelay $0x3  }
0x36: {  	p1 =	seq.s32 s10, $0x1;
	s10 =	sld [smem:$0x3FB1];
	_ =	sdelay $0x3  }
0x37: {  	[smem:$0x3FB1] =	sst s10  }
0x38: {  	s10 =	sld [smem:$0x3FB2]  }
0x39: {  	_ = 	snop;
	(pc) =	sbr.ind lr, $3  }
0x3a: {  	_ = 	snop  }
0x3b: {  	_ = 	snop  }
0x3c: {  	p2 =	seq.s32 s10, $0x1;
	s10 =	sld [smem:$0x3FB1]  }
0x3d: {  	_ =	shalt  }
0x3e: {  	_ =	shalt  }
0x3f: {  	_ =	shalt  }
0x40: {  	_ =	shalt  }
0x41: {  	_ =	shalt  }
0x42: {  	_ =	shalt  }
0x43: {  	_ =	shalt  }
0x44: {  	_ =	shalt  }
0x45: {  	_ =	shalt  }
0x46: {  	_ =	shalt  }
0x47: {  	_ =	shalt  }
0x48: {  	_ =	shalt  }
0x49: {  	_ =	shalt  }
0x4a: {  	_ =	shalt  }
0x4b: {  	_ =	shalt  }
0x4c: {  	_ =	shalt  }
0x4d: {  	_ =	shalt  }
0x4e: {  	_ =	shalt  }
0x4f: {  	_ =	shalt  }
0x50: {  	_ =	shalt  }
0x51: {  	_ =	shalt  }
0x52: {  	_ =	shalt  }
0x53: {  	_ =	shalt  }
0x54: {  	_ =	shalt  }
0x55: {  	_ =	shalt  }
0x56: {  	_ =	shalt  }
0x57: {  	_ =	shalt  }
0x58: {  	_ =	shalt  }
0x59: {  	_ =	shalt  }
0x5a: {  	_ =	shalt  }
0x5b: {  	_ =	shalt  }
0x5c: {  	_ =	shalt  }
0x5d: {  	_ =	shalt  }
0x5e: {  	_ =	shalt  }
0x5f: {  	_ =	shalt  }
0x60: {  	_ =	shalt  }
0x61: {  	_ =	shalt  }
0x62: {  	_ =	shalt  }
0x63: {  	_ =	shalt  }
0x64: {  	_ =	shalt  }
0x65: {  	_ =	shalt  }
0x66: {  	_ =	shalt  }
0x67: {  	_ =	shalt  }
0x68: {  	_ =	shalt  }
0x69: {  	_ =	shalt  }
0x6a: {  	_ =	shalt  }
0x6b: {  	_ =	shalt  }
0x6c: {  	_ =	shalt  }
0x6d: {  	_ =	shalt  }
0x6e: {  	_ =	shalt  }
0x6f: {  	_ =	shalt  }
0x70: {  	_ =	shalt  }
0x71: {  	_ =	shalt  }
0x72: {  	_ =	shalt  }
0x73: {  	_ =	shalt  }
0x74: {  	_ =	shalt  }
0x75: {  	_ =	shalt  }
0x76: {  	_ =	shalt  }
0x77: {  	_ =	shalt  }
0x78: {  	_ =	shalt  }
0x79: {  	_ =	shalt  }
0x7a: {  	_ =	shalt  }
0x7b: {  	_ =	shalt  }
0x7c: {  	_ =	shalt  }
0x7d: {  	_ =	shalt  }
0x7e: {  	_ =	shalt  }
0x7f: {  	_ =	shalt  }
0x80: {  	_ =	shalt  }
0x81: {  	_ =	shalt  }
0x82: {  	_ =	shalt  }
0x83: {  	_ =	shalt  }
0x84: {  	_ =	shalt  }
0x85: {  	_ =	shalt  }
0x86: {  	_ =	shalt  }
0x87: {  	_ =	shalt  }
.Lfunc_end0:
.L_simem_size_0:
called_computation_lowered:
.L_overlay_start_0:
0x88: {  	s2 =	sld [smem:$0x3FD9]  }
0x89: {  	s3 =	sld [smem:$0x3FFE];
	_ =	sdelay $0x1  }
0x8a: {  	s1 =	srdreg.scid  }
0x8b: {  	s0 =	sand.u32 $0x1, s1  }
0x8c: {  	s17 =	sshll.u32 s0, $0xA;
	s2 =	sadd.s32 s3, s2  }
0x8d: {  	s2 =	sadd.s32 s2, s17  }
0x8e: {  	[smem:$0x3FBD] =	sst s2  }
0x8f: {  	_ = 	snop  }
0x90: {  	s2 =	sld [smem:$0x3FC9]  }
0x91: {  	s18 =	sld [smem:$0x3FD0];
	(tm) =	ssettm $0x1  }
0x92: {  	s4 =	sld [smem:$0x3FFB];
	_ =	sdelay $0x3  }
0x93: {  	_ =	strace s4  }
0x94: {  	s4 =	sld [smem:$0x3FFC];
	_ =	sdelay $0x3  }
0x95: {  	_ =	strace s4  }
0x96: {  	s4 =	sld [smem:$0x3FFD];
	_ =	sdelay $0x3  }
0x97: {  	_ =	strace s4  }
0x98: {  	_ =	strace $0x8FFFFFFF  }
0x99: {  	s19 =	sld [smem:$0x3FDB];
	_ =	sdelay $0x1  }
0x9a: {  	s5 =	simm.s32 $_scs_section_size  }
0x9b: {  	s6 =	simm.s32 $_size__tile_overlayer_lowered;
	s7 =	simm.s32 $_tile_overlayer_lowered  }
0x9c: {  	s22 =	simm.s32 $0x1BFF;
	s21 =	sshll.u32 s7, $0x1;
	s4 =	sadd.s32 s5, s19  }
0x9d: {  	s8 =	simm.s32 $0x0;
	s20 =	sshll.u32 s6, $0x1;
	s6 =	sadd.s32 s21, s4  }
0x9e: {  	[timem:s8], [sflag:s22] =	dma.local [hbm:s6], s20  }
0x9f: {  	_ =	swait.ge [sflag:s22], s20  }
0xa0: {  	s5 =	ssub.s32 $0x0, s20;
	[sflag:s22] =	ssyncset.done $0x0  }
0xa1: {  	[sflag:s22] =	ssyncadd.s32 s5;
	_ =	sdelay $0x1  }
0xa2: {  	s23 =	simm.s32 $0x1B8B  }
0xa3: {  	_ =	swait.ge [sflag:s23], $0x1  }
0xa4: {  	[sflag:s23] =	ssyncset.done $0x0  }
0xa5: {  	s25 =	simm.s32 $0x1B8E;
	s24 =	sld [smem:$0x3FFE];
	[sflag:s23] =	ssyncadd.s32 $0xFFFFFFFF  }
0xa6: {  	s26 =	simm.s32 $execute0_lowered;
	[smem:$0x3FD2] =	sst s25  }
0xa7: {  	s6 =	sshll.u32 s26, $0x1;
	_ =	strace $0x80000046;
	[dreg:$0x1] =	wrdreg $0xFFFFFFFF  }
0xa8: {  	s28 =	simm.s32 $_size_execute0_lowered;
	s4 =	sadd.s32 s4, s6;
	[dreg:$0x0] =	wrdreg $0x0  }
0xa9: {  	s6 =	sshll.u32 s28, $0x1;
	[dreg:$0x2] =	wrdreg s4  }
0xaa: {  	[dreg:$0x3] =	wrdreg s6  }
0xab: {  	[dreg:$0x4] =	wrdreg $0xC0  }
0xac: {  	_ =	task [dreg:s8], $0x5FFFF  }
0xad: {  	[dreg:$0x1] =	wrdreg $0xFFFFFFFF  }
0xae: {  	[dreg:$0x0] =	wrdreg $0x60  }
0xaf: {  	[dreg:$0x2] =	wrdreg s2  }
0xb0: {  	[dreg:$0x3] =	wrdreg s24  }
0xb1: {  	[dreg:$0x4] =	wrdreg s18  }
0xb2: {  	[dreg:$0x5] =	wrdreg $0xB2000  }
0xb3: {  	[dreg:$0x6] =	wrdreg $0x1EE000  }
0xb4: {  	[dreg:$0x7] =	wrdreg $0x9  }
0xb5: {  	_ =	task.clear_ibuf [dreg:s8], $0x8FFFF;
	_ =	strace $0x90000046  }
0xb6: {  	s29 =	simm.s32 $0x9;
	_ =	strace $0x80000048  }
0xb7: {  	_ =	swait.ge [sflag:s29], $0x1  }
0xb8: {  	[sflag:s29] =	ssyncadd.s32 $0xFFFFFFFF  }
0xb9: {  	_ =	strace $0x90000048  }
0xba: {  	_ =	sfence  }
0xbb: {  	s30 =	sld [smem:$0x0];
	_ =	sdelay $0x2  }
0xbc: {  	s31 =	sshll.u32 s1, $0xD;
	s1 =	sshrl.u32 s1, $0x2  }
0xbd: {  	s3 =	sand.u32 $0x4000, s31;
	s1 =	sadd.s32 s1, s30  }
0xbe: {  	s0 =	sor.u32 s3, s0;
	s1 =	sshll.u32 s1, $0x11  }
0xbf: {  	s0 =	sor.u32 s1, s0  }
0xc0: {  	s0 =	sadd.s32 $0x8F2B, s0  }
0xc1: {  	[sflag:s0] =	ssyncadd.remote.s32 $0x1  }
0xc2: {  	_ =	sfence.sel $0xFFFF  }
0xc3: {  	[dreg:$0x0] =	wrdreg $0xFFFFFFFF;
	(pc) =	sbr.abs _section_cstart, $3  }
0xc4: {  	[dreg:$0x1] =	wrdreg $0xFFFFFFFF  }
0xc5: {  	_ =	task.clear_ibuf [dreg:s8], $0x2FFFF;
	_ =	strace $0x9FFFFFFF  }
0xc6: {  	(tm) =	ssettm $0x7FFFFFFF  }
0xc7: {  	_ =	shalt  }
tec
execute0_lowered:
.L_overlay_start_1:
0x0: {  	(tag) =	ssettag $0x1  }
0x1: {  	s1 =	rddreg [dreg:$0x0]  }
0x2: {  	s0 =	rddreg [dreg:$0x1];
	s2 =	srdreg.scid  }
0x3: {  	s16 =	stileid.u32;
	s7 =	rddreg [dreg:$0x2]  }
0x4: {  	s3 =	rddreg [dreg:$0x3];
	s30 =	simm.s32 $0x8;
	s8 =	smul.u32 $0x278, s16  }
0x5: {  	s29 =	simm.s32 $0xB180;
	s28 =	simm.s32 $0x2880;
	s13 =	smul.u32 $0x4F000, s16  }
0x6: {  	s31 =	simm.s32 $0x10;
	s2 =	sand.u32 $0x1, s2;
	s23 =	smul.u32 $0xA00, s16  }
0x7: {  	s4 =	sshll.u32 s16, $0x1;
	s14 =	sadd.s32 $0x16C00, s0;
	s24 =	smul.u32 $0x280, s16  }
0x8: {  	s17 =	sshll.u32 s16, $0x6;
	p0 =	seq.s32 s16, $0xF;
	s10 =	smul.u32 $0x2780, s2  }
0x9: {  	s5 =	sor.u32 s2, s4;
	s12 =	ssub.s32 $0x2, s2;
	s2 =	smul.u32 $0x2710, s2  }
0xa: {  	s4 =	rddreg [dreg:$0x4];
	s6 =	smul.u32 $0x2710, s5;
	s5 =	simm.s32 $0x0  }
0xb: {  	s20 =	sshrl.u32 s12, $0x1;
	s22 =	sshrl.u32 s13, $0x2;
	s26 =	sshrl.u32 s23, $0x2  }
0xc: {  	s19 =	sadd.s32 $0x200, s24;
	[smem:$0x7FF] =	sst s5;
	s8 =	sadd.s32 s8, s10  }
0xd: {  	s21 =	ssub.s32 s12, s20;
	s12 =	sadd.s32 s22, s3;
	s20 =	sadd.s32 s26, s4  }
0xe: {  	s22 =	smul.u32 $0x4E20, s16;
	s16 =	simm.s32 $0x1;
	s9 =	sshrl.u32 s6, $0x3  }
0xf: {  	_ =	strace $0x80000047;
	s6 =	sadd.s32 $0x3000, s0;
	[dreg:$0x6] =	wrdreg s14  }
0x10: {  	s8 =	sshll.u32 s8, $0x4;
	[dreg:$0x7] =	wrdreg s12;
	s25 =	smax.u32 s21, $0x1  }
0x11: {  	s12 =	sadd.s32 $0x180, s24;
	s14 =	sadd.s32 s19, s4;
	[dreg:$0x8] =	wrdreg s17  }
0x12: {  	s11 =	sadd.s32 s9, s0;
	s0 =	sadd.s32 s8, s0;
	s18 =	sadd.s32 s6, s9  }
0x13: {  	[dreg:$0xc] =	wrdreg s25;
	s8 =	sadd.s32 $0x80, s24;
	s9 =	sadd.s32 s10, s24  }
0x14: {  	s2 =	sadd.s32 s2, s22;
	s25 =	sadd.s32 s10, s12;
	[dreg:$0x15] =	wrdreg s14  }
0x15: {  	s11 =	sadd.s32 $0xCE00, s11;
	s0 =	sadd.s32 $0x19400, s0;
	[dreg:$0xa] =	wrdreg s18  }
0x16: {  	s9 =	sshrl.u32 s9, $0x3;
	s21 =	sadd.s32 s10, s8;
	[dreg:$0x9] =	wrdreg s11  }
0x17: {  	s26 =	sshrl.u32 s25, $0x3;
	s25 =	sadd.s32 $0x4E0, s18;
	[dreg:$0xb] =	wrdreg s0  }
0x18: {  	s11 =	sadd.s32 $0x100, s24;
	s13 =	sshrl.u32 s21, $0x3;
	s9 =	sadd.s32 s7, s9  }
0x19: {  	s21 =	sadd.s32 s8, s4;
	[dreg:$0x18] =	wrdreg s25;
	s0 =	simm.s32 $0x2900  }
0x1a: {  	s25 =	simm.s32 $0x0;
	s15 =	sadd.s32 s10, s11;
	[dreg:$0xd] =	wrdreg s9  }
0x1b: {  	s23 =	sadd.s32 s7, s13;
	s10 =	sadd.s32 s10, s19;
	[dreg:$0x12] =	wrdreg s21  }
0x1c: {  	s22 =	sadd.s32 s11, s4;
	s19 =	sor.u32 $0x1C06, s17;
	[dreg:$0xe] =	wrdreg s23  }
0x1d: {  	s11 =	simm.s32 $0x3;
	s17 =	simm.s32 $0xB100;
	[dreg:$0x17] =	wrdreg s19  }
0x1e: {  	s24 =	sshrl.u32 s15, $0x3;
	s15 =	sadd.s32 $0x100, s2;
	[dreg:$0x13] =	wrdreg s22  }
0x1f: {  	s10 =	sshrl.u32 s10, $0x3;
	s23 =	sadd.s32 s12, s4;
	[dreg:$0x16] =	wrdreg s15  }
0x20: {  	s12 =	simm.s32 $0x6;
	s9 =	sadd.s32 s7, s24;
	[dreg:$0x14] =	wrdreg s23  }
0x21: {  	s19 =	simm.s32 $0x2;
	s15 =	simm.s32 $0x6900;
	[dreg:$0xf] =	wrdreg s9  }
0x22: {  	s9 =	sadd.s32 s7, s26;
	s7 =	sadd.s32 s7, s10;
	s10 =	sadd.s32 $0x80, s2  }
0x23: {  	s26 =	sadd.s32 $0x4D0, s18;
	s2 =	simm.s32 $0x2780;
	[dreg:$0x10] =	wrdreg s9  }
0x24: {  	s18 =	simm.s32 $0x5;
	[dreg:$0x11] =	wrdreg s7;
	s13 =	sshrl.u32 s10, $0x3  }
0x25: {  	[dreg:$0x19] =	wrdreg s26;
	s10 =	simm.s32 $0xA900;
	s9 =	simm.s32 $0x80  }
0x26: {  	v0 =	vimm.f32 $1.000000000e+00;
	v1 =	vimm.f32 $0.0e+00;
	s26 =	simm.s32 $0x4;
	s24 =	sadd.s32 s13, s6;
	s13 =	simm.s32 $0x2800  }
.LBB2_1:
0x27: {  	[dreg:$0x1a] =	wrdreg s25  }
0x28: {  	s7 =	rddreg [dreg:$0x7]  }
0x29: {  	s8 =	rddreg [dreg:$0x6]  }
0x2a: {  	s25 =	rddreg [dreg:$0x17];
	s7 =	sshrl.u32 s7, $0x3  }
0x2b: {  	[spmem:s7], [sflag:s25] =	dma.local [hbm:s8], $0x2780  }
0x2c: {  	s8 =	rddreg [dreg:$0x9]  }
0x2d: {  	[tilespmem:s5], [sflag:$0x8] =	stream.linear.gather [hbm4b:s8+s5], $0x2710, $0x38;
	[tilespmem:$0x1F078] =	vst v63  }
0x2e: {  	_ =	swait.ge [sflag:s30], $0x2710  }
0x2f: {  	[sflag:s30] =	ssyncset.done $0x0  }
0x30: {  	[sflag:s30] =	ssyncadd.s32 $0xFFFFD8F0  }
0x31: {  	[tilespmem:$0xB100] =	vst v0  }
0x32: {  	[tilespmem:$0xB110] =	vst v0  }
0x33: {  	[tilespmem:$0xB120] =	vst v0  }
0x34: {  	[tilespmem:$0xB130] =	vst v0  }
0x35: {  	[tilespmem:$0xB140] =	vst v0  }
0x36: {  	[tilespmem:$0xB150] =	vst v0  }
0x37: {  	[tilespmem:$0xB160] =	vst v0  }
0x38: {  	[tilespmem:$0xB170] =	vst v0  }
0x39: {  	[tilespmem:$0xB180] =	vst v1  }
0x3a: {  	[tilespmem:$0xB190] =	vst v1  }
0x3b: {  	[tilespmem:$0xB1A0] =	vst v1  }
0x3c: {  	[tilespmem:$0xB1B0] =	vst v1  }
0x3d: {  	[tilespmem:$0xB1C0] =	vst v1  }
0x3e: {  	[tilespmem:$0xB1D0] =	vst v1  }
0x3f: {  	[tilespmem:$0xB1E0] =	vst v1  }
0x40: {  	[tilespmem:$0xB1F0] =	vst v1  }
0x41: {  	[spmem:s20] =	stream.linear.scatter [tilespmem:s29], [sflag:$0x8], $0x80, $0x38;
	[tilespmem:$0x1F078] =	vst v63  }
0x42: {  	_ =	swait.ge [sflag:s30], $0x80  }
0x43: {  	[sflag:s30] =	ssyncset.done $0x0  }
0x44: {  	[sflag:s30] =	ssyncadd.s32 $0xFFFFFF80  }
0x45: {  	[spmem:s21] =	stream.linear.scatter [tilespmem:s29], [sflag:$0x8], $0x80, $0x38;
	[tilespmem:$0x1F078] =	vst v63  }
0x46: {  	_ =	swait.ge [sflag:s30], $0x80  }
0x47: {  	[sflag:s30] =	ssyncset.done $0x0  }
0x48: {  	[sflag:s30] =	ssyncadd.s32 $0xFFFFFF80  }
0x49: {  	[spmem:s22] =	stream.linear.scatter [tilespmem:s29], [sflag:$0x8], $0x80, $0x38;
	[tilespmem:$0x1F078] =	vst v63  }
0x4a: {  	_ =	swait.ge [sflag:s30], $0x80  }
0x4b: {  	[sflag:s30] =	ssyncset.done $0x0  }
0x4c: {  	[sflag:s30] =	ssyncadd.s32 $0xFFFFFF80  }
0x4d: {  	[spmem:s23] =	stream.linear.scatter [tilespmem:s29], [sflag:$0x8], $0x80, $0x38;
	[tilespmem:$0x1F078] =	vst v63  }
0x4e: {  	_ =	swait.ge [sflag:s30], $0x80  }
0x4f: {  	[sflag:s30] =	ssyncset.done $0x0  }
0x50: {  	s8 =	simm.s32 @!p0 $0xB180;
	[sflag:s30] =	ssyncadd.s32 $0xFFFFFF80  }
0x51: {  	[spmem:s14] =	stream.linear.scatter @!p0 [tilespmem:s8], [sflag:$0x8], $0x80, $0x38;
	[tilespmem:$0x1F078] =	vst v63  }
0x52: {  	s8 =	simm.s32 @!p0 $0x8  }
0x53: {  	_ =	swait.ge @!p0 [sflag:s8], $0x80  }
0x54: {  	[sflag:s8] =	ssyncset.done @!p0 $0x0  }
0x55: {  	s14 =	rddreg [dreg:$0xa];
	[sflag:s8] =	ssyncadd.s32 @!p0 $0xFFFFFF80  }
0x56: {  	[tilespmem:s2], [sflag:$0x3] =	stream.linear.gather [hbm4b:s14+s5], $0x80, $0x38;
	[tilespmem:$0x1F078] =	vst v63  }
0x57: {  	_ = 	snop  }
0x58: {  	[tilespmem:s0], [sflag:$0x1] =	stream.indirect.gather [hbm4b:s1+s9], $0x80, s5, s9, $0xb8;
	[tilespmem:$0x1F078] =	vst v63  }
0x59: {  	s25 =	smov.u32 s20;
	s20 =	rddreg [dreg:$0x18]  }
0x5a: {  	[tilespmem:s28], [sflag:$0x7] =	stream.linear.gather [hbm4b:s20+s5], $0x10, $0x38;
	[tilespmem:$0x1F078] =	vst v63  }
0x5b: {  	s21 =	simm.s32 $0x2700  }
0x5c: {  	[tilespmem:s10], [sflag:$0x7] =	stream.indirect.gather [hbm4b:s1+s31], $0x80, s21, s31, $0xb8;
	[tilespmem:$0x1F078] =	vst v63  }
0x5d: {  	_ =	swait.ge [sflag:s12], $0x2780  }
0x5e: {  	[sflag:s12] =	ssyncset.done $0x0  }
0x5f: {  	[sflag:s12] =	ssyncadd.s32 $0xFFFFD880  }
0x60: {  	s22 =	sadd.s32 $0x0, s24;
	[bflag:$0x0] =	sbarrier.arrive $0xFFFF  }
0x61: {  	[tilespmem:s13], [sflag:$0x4] =	stream.linear.gather [hbm4b:s22+s5], $0x80, $0x38;
	[tilespmem:$0x1F078] =	vst v63  }
0x62: {  	_ = 	snop  }
0x63: {  	[tilespmem:s15], [sflag:$0x2] =	stream.indirect.gather [hbm4b:s1+s9], $0x80, s9, s9, $0xb8;
	[tilespmem:$0x1F078] =	vst v63  }
0x64: {  	_ =	swait.ge [sflag:s16], $0x4000  }
0x65: {  	[sflag:s16] =	ssyncset.done $0x0  }
0x66: {  	[sflag:s16] =	ssyncadd.s32 $0xFFFFC000  }
0x67: {  	_ =	swait.ge [sflag:s11], $0x80  }
0x68: {  	[sflag:s11] =	ssyncset.done $0x0  }
0x69: {  	[sflag:s11] =	ssyncadd.s32 $0xFFFFFF80  }
0x6a: {  	[spmem:s4] =	stream.indirect.scatter.add.f32 [tilespmem:s17], [sflag:$0x5], $0x1, s2, s9, $0xb8;
	[tilespmem:$0x1F078] =	vst v63  }
0x6b: {  	_ = 	snop  }
0x6c: {  	[spmem:s3] =	stream.indirect.scatter.add.f32 [tilespmem:s0], [sflag:$0x8], $0x80, s2, s9, $0xb8;
	[tilespmem:$0x1F078] =	vst v63  }
0x6d: {  	_ =	swait.ge [sflag:s30], $0x4000  }
0x6e: {  	[sflag:s30] =	ssyncset.done $0x0  }
0x6f: {  	[sflag:s30] =	ssyncadd.s32 $0xFFFFC000  }
0x70: {  	_ =	swait.ge [sflag:s18], $0x80  }
0x71: {  	s23 =	rddreg [dreg:$0x16]  }
0x72: {  	[sflag:s18] =	ssyncset.done $0x0;
	s28 =	sshrl.u32 s23, $0x3  }
0x73: {  	[sflag:s18] =	ssyncadd.s32 $0xFFFFFF80;
	s8 =	sadd.s32 s6, s28  }
0x74: {  	[tilespmem:s2], [sflag:$0x3] =	stream.linear.gather [hbm4b:s8+s5], $0x80, $0x38;
	[tilespmem:$0x1F078] =	vst v63  }
0x75: {  	s31 =	simm.s32 $0x100  }
0x76: {  	[tilespmem:s0], [sflag:$0x1] =	stream.indirect.gather [hbm4b:s1+s9], $0x80, s31, s9, $0xb8;
	[tilespmem:$0x1F078] =	vst v63  }
0x77: {  	_ =	swait.ge [sflag:s19], $0x4000  }
0x78: {  	[sflag:s19] =	ssyncset.done $0x0  }
0x79: {  	[sflag:s19] =	ssyncadd.s32 $0xFFFFC000  }
0x7a: {  	_ =	swait.ge [sflag:s26], $0x80  }
0x7b: {  	[sflag:s26] =	ssyncset.done $0x0  }
0x7c: {  	[sflag:s26] =	ssyncadd.s32 $0xFFFFFF80  }
0x7d: {  	[spmem:s4] =	stream.indirect.scatter.add.f32 [tilespmem:s17], [sflag:$0x6], $0x1, s13, s9, $0xb8;
	[tilespmem:$0x1F078] =	vst v63  }
0x7e: {  	_ = 	snop  }
0x7f: {  	[spmem:s3] =	stream.indirect.scatter.add.f32 [tilespmem:s15], [sflag:$0x8], $0x80, s13, s9, $0xb8;
	[tilespmem:$0x1F078] =	vst v63  }
0x80: {  	_ =	swait.ge [sflag:s30], $0x4000  }
0x81: {  	[sflag:s30] =	ssyncset.done $0x0  }
0x82: {  	s29 =	simm.s32 $0xA900;
	[sflag:s30] =	ssyncadd.s32 $0xFFFFC000  }
0x83: {  	s20 =	simm.s32 $0x20;
	s21 =	simm.s32 $0x40;
	_ =	swait.ge [sflag:s12], $0x80  }
0x84: {  	s14 =	sadd.s32 $0x100, s23;
	s8 =	simm.s32 $0x180;
	[sflag:s12] =	ssyncset.done $0x0  }
.LBB2_2:
0x85: {  	s23 =	sadd.s32 s20, s24  }
0x86: {  	[sflag:s12] =	ssyncadd.s32 $0xFFFFFF80;
	s20 =	smov.u32 s21;
	s22 =	sadd.s32 $0x20, s21  }
0x87: {  	[tilespmem:s13], [sflag:$0x4] =	stream.linear.gather [hbm4b:s23+s5], $0x80, $0x38;
	[tilespmem:$0x1F078] =	vst v63  }
0x88: {  	p1 =	sne.s32 s21, $0x4A0  }
0x89: {  	[tilespmem:s15], [sflag:$0x2] =	stream.indirect.gather [hbm4b:s1+s9], $0x80, s8, s9, $0xb8;
	[tilespmem:$0x1F078] =	vst v63  }
0x8a: {  	_ =	swait.ge [sflag:s16], $0x4000  }
0x8b: {  	[sflag:s16] =	ssyncset.done $0x0  }
0x8c: {  	[sflag:s16] =	ssyncadd.s32 $0xFFFFC000  }
0x8d: {  	_ =	swait.ge [sflag:s11], $0x80  }
0x8e: {  	[sflag:s11] =	ssyncset.done $0x0  }
0x8f: {  	[sflag:s11] =	ssyncadd.s32 $0xFFFFFF80  }
0x90: {  	[spmem:s4] =	stream.indirect.scatter.add.f32 [tilespmem:s17], [sflag:$0x5], $0x1, s2, s9, $0xb8;
	[tilespmem:$0x1F078] =	vst v63  }
0x91: {  	_ = 	snop  }
0x92: {  	[spmem:s3] =	stream.indirect.scatter.add.f32 [tilespmem:s0], [sflag:$0x8], $0x80, s2, s9, $0xb8;
	[tilespmem:$0x1F078] =	vst v63  }
0x93: {  	_ =	swait.ge [sflag:s30], $0x4000  }
0x94: {  	[sflag:s30] =	ssyncset.done $0x0  }
0x95: {  	[sflag:s30] =	ssyncadd.s32 $0xFFFFC000  }
0x96: {  	_ =	swait.ge [sflag:s18], $0x80  }
0x97: {  	s21 =	sshrl.u32 s14, $0x3;
	[sflag:s18] =	ssyncset.done $0x0  }
0x98: {  	s21 =	sadd.s32 s6, s21;
	[sflag:s18] =	ssyncadd.s32 $0xFFFFFF80  }
0x99: {  	[tilespmem:s2], [sflag:$0x3] =	stream.linear.gather [hbm4b:s21+s5], $0x80, $0x38;
	[tilespmem:$0x1F078] =	vst v63  }
0x9a: {  	s21 =	sadd.s32 $0x80, s8  }
0x9b: {  	[tilespmem:s0], [sflag:$0x1] =	stream.indirect.gather [hbm4b:s1+s9], $0x80, s21, s9, $0xb8;
	[tilespmem:$0x1F078] =	vst v63  }
0x9c: {  	_ =	swait.ge [sflag:s19], $0x4000  }
0x9d: {  	[sflag:s19] =	ssyncset.done $0x0  }
0x9e: {  	[sflag:s19] =	ssyncadd.s32 $0xFFFFC000  }
0x9f: {  	_ =	swait.ge [sflag:s26], $0x80  }
0xa0: {  	[sflag:s26] =	ssyncset.done $0x0  }
0xa1: {  	[sflag:s26] =	ssyncadd.s32 $0xFFFFFF80  }
0xa2: {  	[spmem:s4] =	stream.indirect.scatter.add.f32 [tilespmem:s17], [sflag:$0x6], $0x1, s13, s9, $0xb8;
	[tilespmem:$0x1F078] =	vst v63  }
0xa3: {  	_ = 	snop  }
0xa4: {  	[spmem:s3] =	stream.indirect.scatter.add.f32 [tilespmem:s15], [sflag:$0x8], $0x80, s13, s9, $0xb8;
	[tilespmem:$0x1F078] =	vst v63  }
.Ltmp0:
0xa5: {  	_ =	swait.ge [sflag:s30], $0x4000;
	(pc) =	sbr.rel @p1 .LBB2_2-.Ltmp0, $4  }
0xa6: {  	[sflag:s30] =	ssyncset.done $0x0  }
0xa7: {  	[sflag:s30] =	ssyncadd.s32 $0xFFFFC000  }
0xa8: {  	s14 =	sadd.s32 $0x100, s14;
	_ =	swait.ge [sflag:s12], $0x80  }
0xa9: {  	s8 =	sadd.s32 $0x100, s8;
	s21 =	smov.u32 s22;
	[sflag:s12] =	ssyncset.done $0x0  }
0xaa: {  	s20 =	sadd.s32 s20, s24;
	[sflag:s12] =	ssyncadd.s32 $0xFFFFFF80  }
0xab: {  	[tilespmem:s13], [sflag:$0x4] =	stream.linear.gather [hbm4b:s20+s5], $0x80, $0x38;
	[tilespmem:$0x1F078] =	vst v63  }
0xac: {  	_ = 	snop  }
0xad: {  	[tilespmem:s15], [sflag:$0x2] =	stream.indirect.gather [hbm4b:s1+s9], $0x80, s8, s9, $0xb8;
	[tilespmem:$0x1F078] =	vst v63  }
0xae: {  	_ =	swait.ge [sflag:s16], $0x4000  }
0xaf: {  	[sflag:s16] =	ssyncset.done $0x0  }
0xb0: {  	[sflag:s16] =	ssyncadd.s32 $0xFFFFC000  }
0xb1: {  	_ =	swait.ge [sflag:s11], $0x80  }
0xb2: {  	[sflag:s11] =	ssyncset.done $0x0  }
0xb3: {  	[sflag:s11] =	ssyncadd.s32 $0xFFFFFF80  }
0xb4: {  	[spmem:s4] =	stream.indirect.scatter.add.f32 [tilespmem:s17], [sflag:$0x5], $0x1, s2, s9, $0xb8;
	[tilespmem:$0x1F078] =	vst v63  }
0xb5: {  	_ = 	snop  }
0xb6: {  	[spmem:s3] =	stream.indirect.scatter.add.f32 [tilespmem:s0], [sflag:$0x8], $0x80, s2, s9, $0xb8;
	[tilespmem:$0x1F078] =	vst v63  }
0xb7: {  	_ =	swait.ge [sflag:s30], $0x4000  }
0xb8: {  	[sflag:s30] =	ssyncset.done $0x0  }
0xb9: {  	[sflag:s30] =	ssyncadd.s32 $0xFFFFC000  }
0xba: {  	_ =	swait.ge [sflag:s18], $0x80  }
0xbb: {  	s14 =	sshrl.u32 s14, $0x3;
	[sflag:s18] =	ssyncset.done $0x0  }
0xbc: {  	s14 =	sadd.s32 s6, s14;
	[sflag:s18] =	ssyncadd.s32 $0xFFFFFF80  }
0xbd: {  	[tilespmem:s2], [sflag:$0x3] =	stream.linear.gather [hbm4b:s14+s5], $0x80, $0x38;
	[tilespmem:$0x1F078] =	vst v63  }
0xbe: {  	s14 =	sadd.s32 $0x80, s8  }
0xbf: {  	[tilespmem:s0], [sflag:$0x1] =	stream.indirect.gather [hbm4b:s1+s9], $0x80, s14, s9, $0xb8;
	[tilespmem:$0x1F078] =	vst v63  }
0xc0: {  	_ =	swait.ge [sflag:s19], $0x4000  }
0xc1: {  	[sflag:s19] =	ssyncset.done $0x0  }
0xc2: {  	[sflag:s19] =	ssyncadd.s32 $0xFFFFC000  }
0xc3: {  	_ =	swait.ge [sflag:s26], $0x80  }
0xc4: {  	[sflag:s26] =	ssyncset.done $0x0  }
0xc5: {  	[sflag:s26] =	ssyncadd.s32 $0xFFFFFF80  }
0xc6: {  	[spmem:s4] =	stream.indirect.scatter.add.f32 [tilespmem:s17], [sflag:$0x6], $0x1, s13, s9, $0xb8;
	[tilespmem:$0x1F078] =	vst v63  }
0xc7: {  	_ = 	snop  }
0xc8: {  	[spmem:s3] =	stream.indirect.scatter.add.f32 [tilespmem:s15], [sflag:$0x8], $0x80, s13, s9, $0xb8;
	[tilespmem:$0x1F078] =	vst v63  }
0xc9: {  	_ =	swait.ge [sflag:s30], $0x4000  }
0xca: {  	[sflag:s30] =	ssyncset.done $0x0  }
0xcb: {  	[sflag:s30] =	ssyncadd.s32 $0xFFFFC000  }
0xcc: {  	_ =	swait.ge [sflag:s12], $0x80  }
0xcd: {  	[sflag:s12] =	ssyncset.done $0x0  }
0xce: {  	s20 =	rddreg [dreg:$0x19];
	[sflag:s12] =	ssyncadd.s32 $0xFFFFFF80  }
0xcf: {  	[tilespmem:s13], [sflag:$0x4] =	stream.linear.gather [hbm4b:s20+s5], $0x80, $0x38;
	[tilespmem:$0x1F078] =	vst v63  }
0xd0: {  	s21 =	simm.s32 $0x2680  }
0xd1: {  	[tilespmem:s15], [sflag:$0x2] =	stream.indirect.gather [hbm4b:s1+s9], $0x80, s21, s9, $0xb8;
	[tilespmem:$0x1F078] =	vst v63  }
0xd2: {  	_ =	swait.ge [sflag:s16], $0x4000  }
0xd3: {  	[sflag:s16] =	ssyncset.done $0x0  }
0xd4: {  	[sflag:s16] =	ssyncadd.s32 $0xFFFFC000  }
0xd5: {  	_ =	swait.ge [sflag:s11], $0x80  }
0xd6: {  	[sflag:s11] =	ssyncset.done $0x0  }
0xd7: {  	[sflag:s11] =	ssyncadd.s32 $0xFFFFFF80  }
0xd8: {  	[spmem:s4] =	stream.indirect.scatter.add.f32 [tilespmem:s17], [sflag:$0x5], $0x1, s2, s9, $0xb8;
	[tilespmem:$0x1F078] =	vst v63  }
0xd9: {  	_ = 	snop  }
0xda: {  	[spmem:s3] =	stream.indirect.scatter.add.f32 [tilespmem:s0], [sflag:$0x8], $0x80, s2, s9, $0xb8;
	[tilespmem:$0x1F078] =	vst v63  }
0xdb: {  	_ =	swait.ge [sflag:s30], $0x4000  }
0xdc: {  	[sflag:s30] =	ssyncset.done $0x0  }
0xdd: {  	[sflag:s30] =	ssyncadd.s32 $0xFFFFC000  }
0xde: {  	_ =	swait.ge [sflag:s18], $0x80  }
0xdf: {  	[sflag:s18] =	ssyncset.done $0x0  }
0xe0: {  	[sflag:s18] =	ssyncadd.s32 $0xFFFFFF80  }
0xe1: {  	_ =	swait.ge [sflag:s19], $0x4000  }
0xe2: {  	[sflag:s19] =	ssyncset.done $0x0  }
0xe3: {  	[sflag:s19] =	ssyncadd.s32 $0xFFFFC000  }
0xe4: {  	_ =	swait.ge [sflag:s26], $0x80  }
0xe5: {  	[sflag:s26] =	ssyncset.done $0x0  }
0xe6: {  	[sflag:s26] =	ssyncadd.s32 $0xFFFFFF80  }
0xe7: {  	[spmem:s4] =	stream.indirect.scatter.add.f32 [tilespmem:s17], [sflag:$0x6], $0x1, s13, s9, $0xb8;
	[tilespmem:$0x1F078] =	vst v63  }
0xe8: {  	_ = 	snop  }
0xe9: {  	[spmem:s3] =	stream.indirect.scatter.add.f32 [tilespmem:s15], [sflag:$0x8], $0x80, s13, s9, $0xb8;
	[tilespmem:$0x1F078] =	vst v63  }
0xea: {  	_ =	swait.ge [sflag:s30], $0x4000  }
0xeb: {  	[sflag:s30] =	ssyncset.done $0x0  }
0xec: {  	[sflag:s30] =	ssyncadd.s32 $0xFFFFC000  }
0xed: {  	_ =	swait.ge [sflag:s12], $0x80  }
0xee: {  	[sflag:s12] =	ssyncset.done $0x0  }
0xef: {  	s22 =	simm.s32 $0x7;
	[sflag:s12] =	ssyncadd.s32 $0xFFFFFF80  }
0xf0: {  	_ =	swait.ge [sflag:s22], $0x10  }
0xf1: {  	[sflag:s22] =	ssyncset.done $0x0  }
0xf2: {  	[sflag:s22] =	ssyncadd.s32 $0xFFFFFFF0  }
0xf3: {  	_ =	swait.ge [sflag:s22], $0x800  }
0xf4: {  	[sflag:s22] =	ssyncset.done $0x0  }
0xf5: {  	s28 =	simm.s32 $0x2880;
	s31 =	simm.s32 $0x10;
	[sflag:s22] =	ssyncadd.s32 $0xFFFFF800  }
0xf6: {  	[spmem:s4] =	stream.indirect.scatter.add.f32 [tilespmem:s17], [sflag:$0x5], $0x1, s28, s31, $0xb8;
	[tilespmem:$0x1F078] =	vst v63  }
0xf7: {  	_ = 	snop  }
0xf8: {  	[spmem:s3] =	stream.indirect.scatter.add.f32 [tilespmem:s29], [sflag:$0x8], $0x80, s28, s31, $0xb8;
	[tilespmem:$0x1F078] =	vst v63  }
0xf9: {  	_ =	swait.ge [sflag:s30], $0x800  }
0xfa: {  	[sflag:s30] =	ssyncset.done $0x0  }
0xfb: {  	[sflag:s30] =	ssyncadd.s32 $0xFFFFF800  }
0xfc: {  	_ =	swait.ge [sflag:s18], $0x10  }
0xfd: {  	[sflag:s18] =	ssyncset.done $0x0  }
0xfe: {  	[sflag:s18] =	ssyncadd.s32 $0xFFFFFFF0  }
0xff: {  	[bflag:$0x0] =	sbarrier.arrive $0xFFFF  }
0x100: {  	s23 =	rddreg [dreg:$0x8]  }
0x101: {  	s10 =	rddreg [dreg:$0xb];
	s8 =	sor.u32 $0x1C08, s23  }
0x102: {  	[hbm:s10], [sflag:s8] =	dma.local [spmem:s7], $0x2780  }
0x103: {  	_ =	swait.ge [sflag:s30], $0x2780  }
0x104: {  	[sflag:s30] =	ssyncset.done $0x0  }
0x105: {  	s14 =	simm.s32 $0x9;
	s29 =	simm.s32 $0xB180;
	[sflag:s30] =	ssyncadd.s32 $0xFFFFD880  }
0x106: {  	[tilespmem:s29], [sflag:$0x9] =	stream.linear.gather [spmem:s25], $0x80, $0x38;
	[tilespmem:$0x1F078] =	vst v63  }
0x107: {  	_ =	swait.ge [sflag:s14], $0x80  }
0x108: {  	[sflag:s14] =	ssyncset.done $0x0  }
0x109: {  	s21 =	rddreg [dreg:$0xd];
	[sflag:s14] =	ssyncadd.s32 $0xFFFFFF80  }
0x10a: {  	[hbm4b:s21+s5] =	stream.linear.scatter [tilespmem:s29], [sflag:$0x8], $0x80, $0x38;
	[tilespmem:$0x1F078] =	vst v63  }
0x10b: {  	_ =	swait.ge [sflag:s30], $0x80  }
0x10c: {  	[sflag:s30] =	ssyncset.done $0x0  }
0x10d: {  	s21 =	rddreg [dreg:$0x12];
	[sflag:s30] =	ssyncadd.s32 $0xFFFFFF80  }
0x10e: {  	[tilespmem:s29], [sflag:$0x9] =	stream.linear.gather [spmem:s21], $0x80, $0x38;
	[tilespmem:$0x1F078] =	vst v63  }
0x10f: {  	_ =	swait.ge [sflag:s14], $0x80  }
0x110: {  	[sflag:s14] =	ssyncset.done $0x0  }
0x111: {  	s22 =	rddreg [dreg:$0xe];
	[sflag:s14] =	ssyncadd.s32 $0xFFFFFF80  }
0x112: {  	[hbm4b:s22+s5] =	stream.linear.scatter [tilespmem:s29], [sflag:$0x8], $0x80, $0x38;
	[tilespmem:$0x1F078] =	vst v63  }
0x113: {  	_ =	swait.ge [sflag:s30], $0x80  }
0x114: {  	[sflag:s30] =	ssyncset.done $0x0  }
0x115: {  	s22 =	rddreg [dreg:$0x13];
	[sflag:s30] =	ssyncadd.s32 $0xFFFFFF80  }
0x116: {  	[tilespmem:s29], [sflag:$0x9] =	stream.linear.gather [spmem:s22], $0x80, $0x38;
	[tilespmem:$0x1F078] =	vst v63  }
0x117: {  	_ =	swait.ge [sflag:s14], $0x80  }
0x118: {  	[sflag:s14] =	ssyncset.done $0x0  }
0x119: {  	s23 =	rddreg [dreg:$0xf];
	[sflag:s14] =	ssyncadd.s32 $0xFFFFFF80  }
0x11a: {  	[hbm4b:s23+s5] =	stream.linear.scatter [tilespmem:s29], [sflag:$0x8], $0x80, $0x38;
	[tilespmem:$0x1F078] =	vst v63  }
0x11b: {  	_ =	swait.ge [sflag:s30], $0x80  }
0x11c: {  	[sflag:s30] =	ssyncset.done $0x0  }
0x11d: {  	s23 =	rddreg [dreg:$0x14];
	[sflag:s30] =	ssyncadd.s32 $0xFFFFFF80  }
0x11e: {  	[tilespmem:s29], [sflag:$0x9] =	stream.linear.gather [spmem:s23], $0x80, $0x38;
	[tilespmem:$0x1F078] =	vst v63  }
0x11f: {  	_ =	swait.ge [sflag:s14], $0x80  }
0x120: {  	[sflag:s14] =	ssyncset.done $0x0  }
0x121: {  	s20 =	smov.u32 s25;
	s25 =	rddreg [dreg:$0x10];
	[sflag:s14] =	ssyncadd.s32 $0xFFFFFF80  }
0x122: {  	[hbm4b:s25+s5] =	stream.linear.scatter [tilespmem:s29], [sflag:$0x8], $0x80, $0x38;
	[tilespmem:$0x1F078] =	vst v63  }
0x123: {  	_ =	swait.ge [sflag:s30], $0x80  }
0x124: {  	s7 =	simm.s32 @!p0 $0xB180;
	[sflag:s30] =	ssyncset.done $0x0  }
0x125: {  	s8 =	simm.s32 @!p0 $0x9;
	s25 =	rddreg [dreg:$0x15];
	[sflag:s30] =	ssyncadd.s32 $0xFFFFFF80  }
0x126: {  	[tilespmem:s7], [sflag:$0x9] =	stream.linear.gather @!p0 [spmem:s25], $0x80, $0x38;
	[tilespmem:$0x1F078] =	vst v63  }
0x127: {  	_ =	swait.ge @!p0 [sflag:s8], $0x80  }
0x128: {  	[sflag:s8] =	ssyncset.done @!p0 $0x0  }
0x129: {  	s14 =	rddreg [dreg:$0x11];
	[sflag:s8] =	ssyncadd.s32 @!p0 $0xFFFFFF80;
	s8 =	simm.s32 @!p0 $0x0  }
0x12a: {  	[hbm4b:s14+s8] =	stream.linear.scatter @!p0 [tilespmem:s7], [sflag:$0x8], $0x80, $0x38;
	[tilespmem:$0x1F078] =	vst v63  }
0x12b: {  	s7 =	simm.s32 @!p0 $0x8  }
0x12c: {  	_ =	swait.ge @!p0 [sflag:s7], $0x80  }
0x12d: {  	s8 =	rddreg [dreg:$0x1a]  }
0x12e: {  	s14 =	smov.u32 s25;
	s25 =	sadd.s32 $0x1, s8;
	s8 =	rddreg [dreg:$0xc]  }
0x12f: {  	p1 =	sne.s32 s25, s8  }
.Ltmp1:
0x130: {  	_ = 	snop;
	(pc) =	sbr.rel @p1 .LBB2_1-.Ltmp1, $3  }
0x131: {  	_ =	sdelay $0x1  }
0x132: {  	[sflag:s7] =	ssyncset.done @!p0 $0x0  }
0x133: {  	s10 =	simm.s32 $0xA900;
	[sflag:s7] =	ssyncadd.s32 @!p0 $0xFFFFFF80  }
0x134: {  	_ =	sfence.sel $0x180000  }
0x135: {  	[bflag:$0x0] =	sbarrier.arrive $0xFFFF  }
0x136: {  	_ =	strace $0x90000047  }
0x137: {  	s0 =	stileid.u32;
	[bflag:$0x2] =	sbarrier.arrive $0xFFFF  }
0x138: {  	p0 =	sne.s32 s0, $0x0;
	s0 =	rddreg [dreg:$0x5]  }
0x139: {  	s0 =	sadd.s32 @!p0 $0x100000, s0  }
0x13a: {  	[sflag:s0] =	ssyncadd.tile.s32 @!p0 $0x1;
	_ =	shalt  }
.Lfunc_end2:
_tile_overlayer_lowered:
.L_overlay_start_2:
0x13b: {  	(tag) =	ssettag $0x2  }
0x13c: {  	s0 =	rddreg [dreg:$0x0];
	s2 =	stileid.u32  }
0x13d: {  	s1 =	rddreg [dreg:$0x1];
	p0 =	sne.s32 s2, $0x0  }
0x13e: {  	s3 =	rddreg [dreg:$0x2];
	[bflag:$0x3] =	sbarrier.arrive $0xFFFF;
	s2 =	simm.s32 @!p0 $0x1C08  }
0x13f: {  	[timem:s3], [sflag:s2] =	dma.local @!p0 [hbm:s0], s1  }
0x140: {  	s0 =	simm.s32 @!p0 $0x8  }
0x141: {  	_ =	swait.ge @!p0 [sflag:s0], s1  }
0x142: {  	s1 =	ssub.s32 @!p0 $0x0, s1;
	[sflag:s0] =	ssyncset.done @!p0 $0x0  }
0x143: {  	[sflag:s0] =	ssyncadd.s32 @!p0 s1  }
0x144: {  	[bflag:$0x3] =	sbarrier.arrive $0xFFFF  }
0x145: {  	_ =	shalt  }

</sc_bundles>
